<compile_context>
chip_gen: v7x
topology: tpu7x:2x2x1
jax: 0.10.2.dev20260603
libtpu: 0.0.44.dev20260713+nightly
codegen_flags: <defaults>
</compile_context>

<pallas_src>
import functools

import jax
import jax.numpy as jnp
from jax import lax
from jax.experimental import pallas as pl
from jax.experimental.pallas import tpu as pltpu
from jax.experimental.pallas import tpu_sc as plsc

N = 50000
M = 16
AFL = 64
EPS = 1e-5

_NC = 2
_NS = 16
_NW = _NC * _NS

_BA = 400
_NBLK = N // _BA
_BAC = 5000


def _softplus(x):
    return jnp.maximum(x, 0.0) + jnp.log1p(jnp.exp(-jnp.abs(x)))


def _rsqrt(x):
    r = lax.rsqrt(x)
    return r * (1.5 - 0.5 * x * r * r)


def _recip(d):
    r = 1.0 / d
    return r * (2.0 - d * r)


def _bdot(a, b):
    return jnp.dot(a.astype(jnp.bfloat16), b.astype(jnp.bfloat16),
                   preferred_element_type=jnp.float32)


def _emb_body(a_ref, w_ref, b_ref, wn_ref, x_ref, yn_ref):
    x = _bdot(a_ref[...], w_ref[...]) + b_ref[...]
    x_ref[...] = x
    yn_ref[...] = _bdot(x, wn_ref[...])


def _embed(atom_fea, w, b, wnbr):
    return pl.pallas_call(
        _emb_body,
        grid=(N // _BAC,),
        in_specs=[
            pl.BlockSpec((_BAC, 128), lambda i: (i, 0)),
            pl.BlockSpec((128, AFL), lambda i: (0, 0)),
            pl.BlockSpec((1, AFL), lambda i: (0, 0)),
            pl.BlockSpec((AFL, 2 * AFL), lambda i: (0, 0)),
        ],
        out_specs=[
            pl.BlockSpec((_BAC, AFL), lambda i: (i, 0)),
            pl.BlockSpec((_BAC, 2 * AFL), lambda i: (i, 0)),
        ],
        out_shape=[
            jax.ShapeDtypeStruct((N, AFL), jnp.float32),
            jax.ShapeDtypeStruct((N, 2 * AFL), jnp.float32),
        ],
    )(atom_fea, w, b.reshape(1, AFL), wnbr)


_B_TOT = N * M
_BPW = _B_TOT // _NW
_CH = 200
_NCH = _BPW // _CH


@functools.cache
def _sc_gather_kernel():
    @functools.partial(
        pl.kernel,
        mesh=plsc.VectorSubcoreMesh(core_axis_name="c", subcore_axis_name="s"),
        out_type=jax.ShapeDtypeStruct((_B_TOT, 2 * AFL), jnp.float32),
        scratch_types=[
            pltpu.VMEM((_BPW,), jnp.int32),
            pltpu.VMEM((_CH, 2 * AFL), jnp.float32),
            pltpu.VMEM((_CH, 2 * AFL), jnp.float32),
            pltpu.SemaphoreType.DMA,
            pltpu.SemaphoreType.DMA,
        ],
    )
    def _sc_gather(table_hbm, idx_hbm, out_hbm, idx_v, rows_a, rows_b, sem_a, sem_b):
        wid = lax.axis_index("s") * _NC + lax.axis_index("c")
        base = wid * _BPW
        pltpu.sync_copy(idx_hbm.at[pl.ds(base, _BPW)], idx_v)

        def mk(t, rows, sem):
            return pltpu.make_async_copy(
                table_hbm.at[idx_v.at[pl.ds(t * _CH, _CH)]], rows, sem)

        mk(0, rows_a, sem_a).start()

        def chunk(t, carry):
            even = t % 2 == 0

            @pl.when(even)
            def _():
                mk(t, rows_a, sem_a).wait()

                @pl.when(t + 1 < _NCH)
                def _():
                    mk(t + 1, rows_b, sem_b).start()

                pltpu.sync_copy(rows_a, out_hbm.at[pl.ds(base + t * _CH, _CH)])

            @pl.when(jnp.logical_not(even))
            def _():
                mk(t, rows_b, sem_b).wait()

                @pl.when(t + 1 < _NCH)
                def _():
                    mk(t + 1, rows_a, sem_a).start()

                pltpu.sync_copy(rows_b, out_hbm.at[pl.ds(base + t * _CH, _CH)])

            return carry

        lax.fori_loop(0, _NCH, chunk, 0)

    return _sc_gather


def _stats_body(yng_ref, nbr_ref, x_ref, wedge_ref, wself_ref, b_ref,
                st_ref, gs8, gq8, cs8, ys8, yq8):
    i = pl.program_id(0)

    @pl.when(i == 0)
    def _():
        for r in (gs8, gq8, cs8, ys8, yq8):
            r[...] = jnp.zeros_like(r)

    g = yng_ref[...] + _bdot(nbr_ref[...], wedge_ref[...])
    ys = _bdot(x_ref[...], wself_ref[...]) + b_ref[...]
    gs8[...] += jnp.sum(g.reshape(_BA * 2, 8, 2 * AFL), axis=0)
    gq8[...] += jnp.sum((g * g).reshape(_BA * 2, 8, 2 * AFL), axis=0)
    sg = jnp.sum(g.reshape(_BA, M, 2 * AFL), axis=1)
    cs8[...] += jnp.sum((ys * sg).reshape(_BA // 8, 8, 2 * AFL), axis=0)
    ys8[...] += jnp.sum(ys.reshape(_BA // 8, 8, 2 * AFL), axis=0)
    yq8[...] += jnp.sum((ys * ys).reshape(_BA // 8, 8, 2 * AFL), axis=0)

    @pl.when(i == _NBLK - 1)
    def _():
        ssum = jnp.sum(gs8[...], axis=0, keepdims=True) + M * jnp.sum(
            ys8[...], axis=0, keepdims=True)
        ssq = (jnp.sum(gq8[...], axis=0, keepdims=True)
               + 2.0 * jnp.sum(cs8[...], axis=0, keepdims=True)
               + M * jnp.sum(yq8[...], axis=0, keepdims=True))
        st_ref[0:1, :] = ssum
        st_ref[1:2, :] = ssq


def _conv_stats(yng, nbr2, x, wedge, wself, b):
    return pl.pallas_call(
        _stats_body,
        grid=(_NBLK,),
        in_specs=[
            pl.BlockSpec((_BA * M, 2 * AFL), lambda i: (i, 0)),
            pl.BlockSpec((_BA * M, M), lambda i: (i, 0)),
            pl.BlockSpec((_BA, AFL), lambda i: (i, 0)),
            pl.BlockSpec((M, 2 * AFL), lambda i: (0, 0)),
            pl.BlockSpec((AFL, 2 * AFL), lambda i: (0, 0)),
            pl.BlockSpec((1, 2 * AFL), lambda i: (0, 0)),
        ],
        out_specs=pl.BlockSpec((2, 2 * AFL), lambda i: (0, 0)),
        out_shape=jax.ShapeDtypeStruct((2, 2 * AFL), jnp.float32),
        scratch_shapes=[
            pltpu.VMEM((8, 2 * AFL), jnp.float32),
            pltpu.VMEM((8, 2 * AFL), jnp.float32),
            pltpu.VMEM((8, 2 * AFL), jnp.float32),
            pltpu.VMEM((8, 2 * AFL), jnp.float32),
            pltpu.VMEM((8, 2 * AFL), jnp.float32),
        ],
        compiler_params=pltpu.CompilerParams(
            dimension_semantics=("arbitrary",),
        ),
    )(yng, nbr2, x, wedge, wself, b.reshape(1, 2 * AFL))


def _gate_body(yng_ref, nbr_ref, x_ref, wedge_ref, wself_ref, b_ref,
               st_ref, g1_ref, b1_ref, ns_ref, st2_ref, s28, sq8):
    i = pl.program_id(0)

    @pl.when(i == 0)
    def _():
        s28[...] = jnp.zeros_like(s28)
        sq8[...] = jnp.zeros_like(sq8)

    cnt = float(N * M)
    mu = st_ref[0:1, :] / cnt
    var = st_ref[1:2, :] / cnt - mu * mu
    sc = g1_ref[...] * _rsqrt(var + EPS)
    sh = b1_ref[...] - mu * sc

    ys = _bdot(x_ref[...], wself_ref[...]) + b_ref[...]
    e = _bdot(nbr_ref[...], wedge_ref[...])
    gtd = ((yng_ref[...] + e).reshape(_BA, M, 2 * AFL)
           + ys[:, None, :]).reshape(_BA * M, 2 * AFL)
    t = gtd * sc + sh
    u = jnp.exp(-jnp.abs(t))
    sig = jnp.where(t >= 0.0, 1.0, u) * _recip(1.0 + u)
    tr = pltpu.roll(t, 64, 1)
    sp = jnp.maximum(tr, 0.0) + jnp.log(1.0 + pltpu.roll(u, 64, 1))
    gate = sig * sp
    ns128 = jnp.sum(gate.reshape(_BA, M, 2 * AFL), axis=1)
    ns_ref[...] = ns128[:, :AFL]
    s28[...] += jnp.sum(ns128.reshape(_BA // 8, 8, 2 * AFL), axis=0)
    sq8[...] += jnp.sum((ns128 * ns128).reshape(_BA // 8, 8, 2 * AFL), axis=0)

    @pl.when(i == _NBLK - 1)
    def _():
        st2_ref[0:1, :] = jnp.sum(s28[...], axis=0, keepdims=True)[:, :AFL]
        st2_ref[1:2, :] = jnp.sum(sq8[...], axis=0, keepdims=True)[:, :AFL]


def _conv_gate(yng, nbr2, x, st, wedge, wself, b, g1, b1):
    return pl.pallas_call(
        _gate_body,
        grid=(_NBLK,),
        in_specs=[
            pl.BlockSpec((_BA * M, 2 * AFL), lambda i: (i, 0)),
            pl.BlockSpec((_BA * M, M), lambda i: (i, 0)),
            pl.BlockSpec((_BA, AFL), lambda i: (i, 0)),
            pl.BlockSpec((M, 2 * AFL), lambda i: (0, 0)),
            pl.BlockSpec((AFL, 2 * AFL), lambda i: (0, 0)),
            pl.BlockSpec((1, 2 * AFL), lambda i: (0, 0)),
            pl.BlockSpec((2, 2 * AFL), lambda i: (0, 0)),
            pl.BlockSpec((1, 2 * AFL), lambda i: (0, 0)),
            pl.BlockSpec((1, 2 * AFL), lambda i: (0, 0)),
        ],
        out_specs=[
            pl.BlockSpec((_BA, AFL), lambda i: (i, 0)),
            pl.BlockSpec((2, AFL), lambda i: (0, 0)),
        ],
        out_shape=[
            jax.ShapeDtypeStruct((N, AFL), jnp.float32),
            jax.ShapeDtypeStruct((2, AFL), jnp.float32),
        ],
        scratch_shapes=[
            pltpu.VMEM((8, 2 * AFL), jnp.float32),
            pltpu.VMEM((8, 2 * AFL), jnp.float32),
        ],
        compiler_params=pltpu.CompilerParams(
            dimension_semantics=("arbitrary",),
        ),
    )(yng, nbr2, x, wedge, wself, b.reshape(1, 2 * AFL),
      st, g1.reshape(1, 2 * AFL), b1.reshape(1, 2 * AFL))


def _update_body(x_ref, ns_ref, st2_ref, g2_ref, b2_ref, wn_ref, x_out, yn_out):
    mu = st2_ref[0:1, :] / float(N)
    var = st2_ref[1:2, :] / float(N) - mu * mu
    sc = g2_ref[...] * _rsqrt(var + EPS)
    sh = b2_ref[...] - mu * sc
    x = _softplus(x_ref[...] + ns_ref[...] * sc + sh)
    x_out[...] = x
    yn_out[...] = _bdot(x, wn_ref[...])


def _update_last_body(x_ref, ns_ref, st2_ref, g2_ref, b2_ref, x_out):
    mu = st2_ref[0:1, :] / float(N)
    var = st2_ref[1:2, :] / float(N) - mu * mu
    sc = g2_ref[...] * _rsqrt(var + EPS)
    sh = b2_ref[...] - mu * sc
    x_out[...] = _softplus(x_ref[...] + ns_ref[...] * sc + sh)


def _update(x, ns, st2, g2, b2, wnbr_next):
    in_specs = [
        pl.BlockSpec((_BAC, AFL), lambda i: (i, 0)),
        pl.BlockSpec((_BAC, AFL), lambda i: (i, 0)),
        pl.BlockSpec((2, AFL), lambda i: (0, 0)),
        pl.BlockSpec((1, AFL), lambda i: (0, 0)),
        pl.BlockSpec((1, AFL), lambda i: (0, 0)),
    ]
    args = [x, ns, st2, g2.reshape(1, AFL), b2.reshape(1, AFL)]
    if wnbr_next is None:
        return pl.pallas_call(
            _update_last_body,
            grid=(N // _BAC,),
            in_specs=in_specs,
            out_specs=pl.BlockSpec((_BAC, AFL), lambda i: (i, 0)),
            out_shape=jax.ShapeDtypeStruct((N, AFL), jnp.float32),
        )(*args), None
    return pl.pallas_call(
        _update_body,
        grid=(N // _BAC,),
        in_specs=in_specs + [pl.BlockSpec((AFL, 2 * AFL), lambda i: (0, 0))],
        out_specs=[
            pl.BlockSpec((_BAC, AFL), lambda i: (i, 0)),
            pl.BlockSpec((_BAC, 2 * AFL), lambda i: (i, 0)),
        ],
        out_shape=[
            jax.ShapeDtypeStruct((N, AFL), jnp.float32),
            jax.ShapeDtypeStruct((N, 2 * AFL), jnp.float32),
        ],
    )(*args, wnbr_next)


def _head_body(xr_ref, gl_ref, w1a_ref, w1b_ref, b1_ref, wo_ref, bo_ref, o_ref):
    n0, kk = xr_ref.shape
    per = kk // AFL
    krow = lax.broadcasted_iota(jnp.int32, (kk, AFL), 0) % AFL
    fcol = lax.broadcasted_iota(jnp.int32, (kk, AFL), 1)
    sel = jnp.where(krow == fcol, 1.0 / per, 0.0)
    pooled = jnp.dot(xr_ref[...], sel, preferred_element_type=jnp.float32, precision=lax.Precision.HIGHEST)
    pf = _softplus(pooled)
    gf = _softplus(gl_ref[...])
    h = _bdot(jnp.concatenate([pf, gf], axis=1),
              jnp.concatenate([w1a_ref[...], w1b_ref[...]], axis=0)) + b1_ref[...]
    h = _softplus(h)
    hb = h.astype(jnp.bfloat16).astype(jnp.float32)
    wb = wo_ref[...].astype(jnp.bfloat16).astype(jnp.float32)
    o_ref[...] = jnp.sum(hb * wb, axis=1, keepdims=True) + bo_ref[...]


def _head(x, global_fea, n0, per, w1, b1, wo, bo):
    hfea = w1.shape[1]
    xr = x.reshape(n0, per * AFL)
    return pl.pallas_call(
        _head_body,
        out_shape=jax.ShapeDtypeStruct((n0, 1), jnp.float32),
    )(xr, global_fea, w1[:AFL], w1[AFL:], b1.reshape(1, hfea),
      wo.reshape(1, hfea), bo.reshape(1, 1))


def kernel(atom_fea, nbr_fea, nbr_fea_idx, crystal_atom_idx, atom_type,
           nbr_type, nbr_dist, pair_type, global_fea, params):
    n0, per = crystal_atom_idx.shape
    idx = nbr_fea_idx.reshape(-1).astype(jnp.int32)
    nbr2 = nbr_fea.reshape(N * M, M)
    convs = params["convs"]

    x, yn = _embed(atom_fea, params["emb_W"], params["emb_b"],
                   convs[0]["W"][AFL:2 * AFL])
    for li, p in enumerate(convs):
        w = p["W"]
        yng = _sc_gather_kernel()(yn, idx)
        st = _conv_stats(yng, nbr2, x, w[2 * AFL:], w[:AFL], p["b"])
        ns, st2 = _conv_gate(yng, nbr2, x, st, w[2 * AFL:], w[:AFL], p["b"],
                             p["bn1_g"], p["bn1_b"])
        wnbr_next = (convs[li + 1]["W"][AFL:2 * AFL]
                     if li + 1 < len(convs) else None)
        x, yn = _update(x, ns, st2, p["bn2_g"], p["bn2_b"], wnbr_next)

    return _head(x, global_fea, n0, per,
                 params["fc1_W"], params["fc1_b"],
                 params["out_W"], params["out_b"])

# --- scband reference (transcript-rebuilt; emitter-appended) ---
"""Pipeline reference for scband-crystal-graph-conv-net-24867860644306 (READ-ONLY COPY).

The authoritative reference and input builder live on the scoring server;
editing this copy changes nothing except your own understanding.
"""

import jax, jax.numpy as jnp
import numpy as np

N = 50000
M = 16
ORIG = 128
NBR = 16
AFL = 64
NCONV = 3
HFEA = 128
GFEA = 16
N0 = 500
PER = 100


def _lin(k, fin, fout):
    kw, kb = jax.random.split(k)
    bound = 1.0 / np.sqrt(fin)
    W = jax.random.uniform(kw, (fin, fout), minval=-bound, maxval=bound, dtype=jnp.float32)
    b = jax.random.uniform(kb, (fout,), minval=-bound, maxval=bound, dtype=jnp.float32)
    return W, b


def setup_inputs(seed: int = 0):
    key = jax.random.key(seed)
    ks = jax.random.split(key, 32)
    atom_fea = jax.random.normal(ks[0], (N, ORIG), dtype=jnp.float32)
    nbr_fea = jax.random.normal(ks[1], (N, M, NBR), dtype=jnp.float32)
    nbr_fea_idx = jax.random.randint(ks[2], (N, M), 0, N)
    crystal_atom_idx = jnp.arange(N0 * PER).reshape(N0, PER)
    atom_type = jax.random.randint(ks[3], (N, 1), 0, 100)
    nbr_type = jax.random.randint(ks[4], (N, M), 0, 100)
    nbr_dist = jax.random.uniform(ks[5], (N, M), dtype=jnp.float32)
    pair_type = jax.random.randint(ks[6], (N, M), 0, 100)
    global_fea = jax.random.normal(ks[7], (N0, GFEA), dtype=jnp.float32)
    params = {}
    params["emb_W"], params["emb_b"] = _lin(ks[8], ORIG, AFL)
    convs = []
    for i in range(NCONV):
        W, b = _lin(ks[9 + i], 2 * AFL + NBR, 2 * AFL)
        convs.append({"W": W, "b": b,
                      "bn1_g": jnp.ones((2 * AFL,), jnp.float32), "bn1_b": jnp.zeros((2 * AFL,), jnp.float32),
                      "bn2_g": jnp.ones((AFL,), jnp.float32), "bn2_b": jnp.zeros((AFL,), jnp.float32)})
    params["convs"] = convs
    params["fc1_W"], params["fc1_b"] = _lin(ks[20], AFL + GFEA, HFEA)
    params["out_W"], params["out_b"] = _lin(ks[21], HFEA, 1)
    return {"atom_fea": atom_fea, "nbr_fea": nbr_fea, "nbr_fea_idx": nbr_fea_idx,
            "crystal_atom_idx": crystal_atom_idx, "atom_type": atom_type, "nbr_type": nbr_type,
            "nbr_dist": nbr_dist, "pair_type": pair_type, "global_fea": global_fea, "params": params}


def _bn(x, g, b):
    m = jnp.mean(x, axis=0)
    v = jnp.var(x, axis=0)
    return (x - m) / jnp.sqrt(v + 1e-5) * g + b


def _conv(afea, nbr_fea, nbr_idx, p):
    n, m = nbr_idx.shape
    atom_nbr_fea = afea[nbr_idx]
    self_fea = jnp.broadcast_to(afea[:, None, :], (n, m, afea.shape[1]))
    total_nbr_fea = jnp.concatenate([self_fea, atom_nbr_fea, nbr_fea], axis=2)
    total_gated = total_nbr_fea @ p["W"] + p["b"]
    total_gated = _bn(total_gated.reshape(-1, 2 * AFL), p["bn1_g"], p["bn1_b"]).reshape(n, m, 2 * AFL)
    nbr_filter, nbr_core = jnp.split(total_gated, 2, axis=2)
    nbr_sumed = jnp.sum(jax.nn.sigmoid(nbr_filter) * jax.nn.softplus(nbr_core), axis=1)
    nbr_sumed = _bn(nbr_sumed, p["bn2_g"], p["bn2_b"])
    return jax.nn.softplus(afea + nbr_sumed)


def reference(atom_fea, nbr_fea, nbr_fea_idx, crystal_atom_idx, atom_type, nbr_type, nbr_dist, pair_type, global_fea, params):
    x = atom_fea @ params["emb_W"] + params["emb_b"]
    for p in params["convs"]:
        x = _conv(x, nbr_fea, nbr_fea_idx, p)
    crys_fea = jnp.mean(x[crystal_atom_idx], axis=1)
    crys_fea = jnp.concatenate([crys_fea, global_fea], axis=1)
    crys_fea = jax.nn.softplus(crys_fea) @ params["fc1_W"] + params["fc1_b"]
    crys_fea = jax.nn.softplus(crys_fea)
    out = crys_fea @ params["out_W"] + params["out_b"]
    return out

if __name__ == "__main__":
    import jax
    _d = setup_inputs()
    print(jax.jit(kernel)(*tuple(_d.values())))

</pallas_src>

<mosaic_0001>
#map = affine_map<(d0, d1) -> (0, 0)>
#map1 = affine_map<(d0, d1) -> (0)>
module attributes {stable_mosaic.version = 14 : i64} {
  func.func @_sc_gather(%arg0: i32, %arg1: i32, %arg2: memref<50000x128xf32, #tpu.memory_space<hbm>>, %arg3: memref<800000xi32, #tpu.memory_space<hbm>>, %arg4: memref<800000x128xf32, #tpu.memory_space<hbm>>, %arg5: memref<25000xi32, #tpu.memory_space<vmem>>, %arg6: memref<200x128xf32, #tpu.memory_space<vmem>>, %arg7: memref<200x128xf32, #tpu.memory_space<vmem>>, %arg8: memref<!tpu.dma_semaphore, #tpu.memory_space<semaphore_mem>>, %arg9: memref<!tpu.dma_semaphore, #tpu.memory_space<semaphore_mem>>) attributes {dimension_semantics = [#tpu.dimension_semantics<core_parallel>, #tpu.dimension_semantics<subcore_parallel>], iteration_bounds = array<i64: 2, 16>, scalar_prefetch = 0 : i64, scratch_operands = 5 : i64, tpu.core_type = #tpu.core_type<sc_vector_subcore>, window_params = [{transform_indices = #map}, {transform_indices = #map1}, {transform_indices = #map}]} {
    %mul3A = arith.constant 2 : i32
    %mul3A_0 = arith.muli %arg1, %mul3A : i32
    %add3A = arith.addi %mul3A_0, %arg0 : i32
    %mul3A_1 = arith.constant 25000 : i32
    %mul3A_2 = arith.muli %add3A, %mul3A_1 : i32
    "tpu.region"() ({
      %run_scoped3A = tpu.sem_alloc : memref<!tpu.dma_semaphore, #tpu.memory_space<semaphore_mem>>
      %dma_start3A_12 = tpu.memref_slice %arg3[%mul3A_2] : memref<800000xi32, #tpu.memory_space<hbm>> -> memref<25000xi32, #tpu.memory_space<hbm>>
      %dma_start3A_13 = tpu.memref_slice %arg3[%mul3A_2] : memref<800000xi32, #tpu.memory_space<hbm>> -> memref<25000xi32, #tpu.memory_space<hbm>>
      tpu.enqueue_dma source(%dma_start3A_13 : memref<25000xi32, #tpu.memory_space<hbm>>) target(%arg5 : memref<25000xi32, #tpu.memory_space<vmem>>) target_semaphore(%run_scoped3A : memref<!tpu.dma_semaphore, #tpu.memory_space<semaphore_mem>>)
      %dma_wait3A = tpu.memref_slice %arg3[%mul3A_2] : memref<800000xi32, #tpu.memory_space<hbm>> -> memref<25000xi32, #tpu.memory_space<hbm>>
      %dma_wait3A_14 = tpu.memref_slice %arg3[%mul3A_2] : memref<800000xi32, #tpu.memory_space<hbm>> -> memref<25000xi32, #tpu.memory_space<hbm>>
      tpu.wait_dma2 semaphore(%run_scoped3A : memref<!tpu.dma_semaphore, #tpu.memory_space<semaphore_mem>>) src(%dma_wait3A_14 : memref<25000xi32, #tpu.memory_space<hbm>>) dst(%arg5 : memref<25000xi32, #tpu.memory_space<vmem>>)
      tpu.yield
    }) : () -> ()
    %dma_start3A = arith.constant 0 : i32
    %dma_start3A_3 = tpu.memref_slice %arg5[%dma_start3A] : memref<25000xi32, #tpu.memory_space<vmem>> -> memref<200xi32, #tpu.memory_space<vmem>>
    %dma_start3A_4 = arith.constant 0 : i32
    %dma_start3A_5 = arith.constant 0 : i32
    %dma_start3A_6 = tpu.memref_slice %arg2[%dma_start3A_4, %dma_start3A_5] : memref<50000x128xf32, #tpu.memory_space<hbm>> -> memref<50000x128xf32, #tpu.memory_space<hbm>>
    tpu.enqueue_indirect_dma source(%dma_start3A_6 : memref<50000x128xf32, #tpu.memory_space<hbm>>) target(%arg6 : memref<200x128xf32, #tpu.memory_space<vmem>>) offsets(%dma_start3A_3 : memref<200xi32, #tpu.memory_space<vmem>>) semaphore(%arg8 : memref<!tpu.dma_semaphore, #tpu.memory_space<semaphore_mem>>)
    %scan3A = arith.constant 0 : i32
    %scan3A_7 = arith.constant 0 : i32
    %scan3A_8 = arith.constant 125 : i32
    %scan3A_9 = arith.addi %scan3A_7, %scan3A_8 : i32
    %scan3A_10 = arith.constant 1 : i32
    scf.for %scan3A_12 = %scan3A_7 to %scan3A_9 step %scan3A_10  : i32 {
      %jit3A = arith.constant 2 : i32
      %eq3A = arith.constant 0 : i32
      %eq3A_13 = arith.cmpi eq, %jit3A, %eq3A : i32
      %jit3A_14 = arith.constant 1 : i32
      %select_n3A = arith.select %eq3A_13, %jit3A_14, %jit3A : i32
      %rem3A = arith.remsi %scan3A_12, %select_n3A : i32
      %ne3A = arith.constant 0 : i32
      %ne3A_15 = arith.cmpi ne, %rem3A, %ne3A : i32
      %lt3A = arith.constant 0 : i32
      %lt3A_16 = arith.cmpi slt, %rem3A, %lt3A : i32
      %lt3A_17 = arith.constant 0 : i32
      %lt3A_18 = arith.cmpi slt, %select_n3A, %lt3A_17 : i32
      %ne3A_19 = arith.xori %lt3A_16, %lt3A_18 : i1
      %and3A = arith.andi %ne3A_19, %ne3A_15 : i1
      %add3A_20 = arith.addi %rem3A, %select_n3A : i32
      %select_n3A_21 = arith.select %and3A, %add3A_20, %rem3A : i32
      %eq3A_22 = arith.constant 0 : i32
      %eq3A_23 = arith.cmpi eq, %select_n3A_21, %eq3A_22 : i32
      %convert_element_type3A = arith.extui %eq3A_23 : i1 to i32
      %cond3A = arith.constant 0 : i32
      %cond3A_24 = arith.cmpi ne, %convert_element_type3A, %cond3A : i32
      scf.if %cond3A_24 {
        %mul3A_29 = arith.constant 200 : i32
        %mul3A_30 = arith.muli %scan3A_12, %mul3A_29 : i32
        %dma_wait3A = tpu.memref_slice %arg5[%mul3A_30] : memref<25000xi32, #tpu.memory_space<vmem>> -> memref<200xi32, #tpu.memory_space<vmem>>
        %dma_wait3A_31 = arith.constant 0 : i32
        %dma_wait3A_32 = arith.constant 0 : i32
        %dma_wait3A_33 = tpu.memref_slice %arg2[%dma_wait3A_31, %dma_wait3A_32] : memref<50000x128xf32, #tpu.memory_space<hbm>> -> memref<50000x128xf32, #tpu.memory_space<hbm>>
        tpu.wait_indirect_dma semaphore(%arg8 : memref<!tpu.dma_semaphore, #tpu.memory_space<semaphore_mem>>) src(%dma_wait3A_33 : memref<50000x128xf32, #tpu.memory_space<hbm>>) dst(%arg6 : memref<200x128xf32, #tpu.memory_space<vmem>>)
        %add3A_34 = arith.constant 1 : i32
        %add3A_35 = arith.addi %scan3A_12, %add3A_34 : i32
        %lt3A_36 = arith.constant 125 : i32
        %lt3A_37 = arith.cmpi slt, %add3A_35, %lt3A_36 : i32
        %convert_element_type3A_38 = arith.extui %lt3A_37 : i1 to i32
        %cond3A_39 = arith.constant 0 : i32
        %cond3A_40 = arith.cmpi ne, %convert_element_type3A_38, %cond3A_39 : i32
        scf.if %cond3A_40 {
          %add3A_44 = arith.constant 1 : i32
          %add3A_45 = arith.addi %scan3A_12, %add3A_44 : i32
          %mul3A_46 = arith.constant 200 : i32
          %mul3A_47 = arith.muli %add3A_45, %mul3A_46 : i32
          %dma_start3A_48 = tpu.memref_slice %arg5[%mul3A_47] : memref<25000xi32, #tpu.memory_space<vmem>> -> memref<200xi32, #tpu.memory_space<vmem>>
          %dma_start3A_49 = arith.constant 0 : i32
          %dma_start3A_50 = arith.constant 0 : i32
          %dma_start3A_51 = tpu.memref_slice %arg2[%dma_start3A_49, %dma_start3A_50] : memref<50000x128xf32, #tpu.memory_space<hbm>> -> memref<50000x128xf32, #tpu.memory_space<hbm>>
          tpu.enqueue_indirect_dma source(%dma_start3A_51 : memref<50000x128xf32, #tpu.memory_space<hbm>>) target(%arg7 : memref<200x128xf32, #tpu.memory_space<vmem>>) offsets(%dma_start3A_48 : memref<200xi32, #tpu.memory_space<vmem>>) semaphore(%arg9 : memref<!tpu.dma_semaphore, #tpu.memory_space<semaphore_mem>>)
        } else {
        }
        %mul3A_41 = arith.constant 200 : i32
        %mul3A_42 = arith.muli %scan3A_12, %mul3A_41 : i32
        %add3A_43 = arith.addi %mul3A_2, %mul3A_42 : i32
        "tpu.region"() ({
          %run_scoped3A = tpu.sem_alloc : memref<!tpu.dma_semaphore, #tpu.memory_space<semaphore_mem>>
          %dma_start3A_44 = arith.constant 0 : i32
          %dma_start3A_45 = tpu.memref_slice %arg4[%add3A_43, %dma_start3A_44] : memref<800000x128xf32, #tpu.memory_space<hbm>> -> memref<200x128xf32, #tpu.memory_space<hbm>>
          %dma_start3A_46 = arith.constant 0 : i32
          %dma_start3A_47 = tpu.memref_slice %arg4[%add3A_43, %dma_start3A_46] : memref<800000x128xf32, #tpu.memory_space<hbm>> -> memref<200x128xf32, #tpu.memory_space<hbm>>
          tpu.enqueue_dma source(%arg6 : memref<200x128xf32, #tpu.memory_space<vmem>>) target(%dma_start3A_47 : memref<200x128xf32, #tpu.memory_space<hbm>>) target_semaphore(%run_scoped3A : memref<!tpu.dma_semaphore, #tpu.memory_space<semaphore_mem>>)
          %dma_wait3A_48 = arith.constant 0 : i32
          %dma_wait3A_49 = tpu.memref_slice %arg4[%add3A_43, %dma_wait3A_48] : memref<800000x128xf32, #tpu.memory_space<hbm>> -> memref<200x128xf32, #tpu.memory_space<hbm>>
          %dma_wait3A_50 = arith.constant 0 : i32
          %dma_wait3A_51 = tpu.memref_slice %arg4[%add3A_43, %dma_wait3A_50] : memref<800000x128xf32, #tpu.memory_space<hbm>> -> memref<200x128xf32, #tpu.memory_space<hbm>>
          tpu.wait_dma2 semaphore(%run_scoped3A : memref<!tpu.dma_semaphore, #tpu.memory_space<semaphore_mem>>) src(%arg6 : memref<200x128xf32, #tpu.memory_space<vmem>>) dst(%dma_wait3A_51 : memref<200x128xf32, #tpu.memory_space<hbm>>)
          tpu.yield
        }) : () -> ()
      } else {
      }
      %not3A = arith.constant true
      %not3A_25 = arith.xori %eq3A_23, %not3A : i1
      %convert_element_type3A_26 = arith.extui %not3A_25 : i1 to i32
      %cond3A_27 = arith.constant 0 : i32
      %cond3A_28 = arith.cmpi ne, %convert_element_type3A_26, %cond3A_27 : i32
      scf.if %cond3A_28 {
        %mul3A_29 = arith.constant 200 : i32
        %mul3A_30 = arith.muli %scan3A_12, %mul3A_29 : i32
        %dma_wait3A = tpu.memref_slice %arg5[%mul3A_30] : memref<25000xi32, #tpu.memory_space<vmem>> -> memref<200xi32, #tpu.memory_space<vmem>>
        %dma_wait3A_31 = arith.constant 0 : i32
        %dma_wait3A_32 = arith.constant 0 : i32
        %dma_wait3A_33 = tpu.memref_slice %arg2[%dma_wait3A_31, %dma_wait3A_32] : memref<50000x128xf32, #tpu.memory_space<hbm>> -> memref<50000x128xf32, #tpu.memory_space<hbm>>
        tpu.wait_indirect_dma semaphore(%arg9 : memref<!tpu.dma_semaphore, #tpu.memory_space<semaphore_mem>>) src(%dma_wait3A_33 : memref<50000x128xf32, #tpu.memory_space<hbm>>) dst(%arg7 : memref<200x128xf32, #tpu.memory_space<vmem>>)
        %add3A_34 = arith.constant 1 : i32
        %add3A_35 = arith.addi %scan3A_12, %add3A_34 : i32
        %lt3A_36 = arith.constant 125 : i32
        %lt3A_37 = arith.cmpi slt, %add3A_35, %lt3A_36 : i32
        %convert_element_type3A_38 = arith.extui %lt3A_37 : i1 to i32
        %cond3A_39 = arith.constant 0 : i32
        %cond3A_40 = arith.cmpi ne, %convert_element_type3A_38, %cond3A_39 : i32
        scf.if %cond3A_40 {
          %add3A_44 = arith.constant 1 : i32
          %add3A_45 = arith.addi %scan3A_12, %add3A_44 : i32
          %mul3A_46 = arith.constant 200 : i32
          %mul3A_47 = arith.muli %add3A_45, %mul3A_46 : i32
          %dma_start3A_48 = tpu.memref_slice %arg5[%mul3A_47] : memref<25000xi32, #tpu.memory_space<vmem>> -> memref<200xi32, #tpu.memory_space<vmem>>
          %dma_start3A_49 = arith.constant 0 : i32
          %dma_start3A_50 = arith.constant 0 : i32
          %dma_start3A_51 = tpu.memref_slice %arg2[%dma_start3A_49, %dma_start3A_50] : memref<50000x128xf32, #tpu.memory_space<hbm>> -> memref<50000x128xf32, #tpu.memory_space<hbm>>
          tpu.enqueue_indirect_dma source(%dma_start3A_51 : memref<50000x128xf32, #tpu.memory_space<hbm>>) target(%arg6 : memref<200x128xf32, #tpu.memory_space<vmem>>) offsets(%dma_start3A_48 : memref<200xi32, #tpu.memory_space<vmem>>) semaphore(%arg8 : memref<!tpu.dma_semaphore, #tpu.memory_space<semaphore_mem>>)
        } else {
        }
        %mul3A_41 = arith.constant 200 : i32
        %mul3A_42 = arith.muli %scan3A_12, %mul3A_41 : i32
        %add3A_43 = arith.addi %mul3A_2, %mul3A_42 : i32
        "tpu.region"() ({
          %run_scoped3A = tpu.sem_alloc : memref<!tpu.dma_semaphore, #tpu.memory_space<semaphore_mem>>
          %dma_start3A_44 = arith.constant 0 : i32
          %dma_start3A_45 = tpu.memref_slice %arg4[%add3A_43, %dma_start3A_44] : memref<800000x128xf32, #tpu.memory_space<hbm>> -> memref<200x128xf32, #tpu.memory_space<hbm>>
          %dma_start3A_46 = arith.constant 0 : i32
          %dma_start3A_47 = tpu.memref_slice %arg4[%add3A_43, %dma_start3A_46] : memref<800000x128xf32, #tpu.memory_space<hbm>> -> memref<200x128xf32, #tpu.memory_space<hbm>>
          tpu.enqueue_dma source(%arg7 : memref<200x128xf32, #tpu.memory_space<vmem>>) target(%dma_start3A_47 : memref<200x128xf32, #tpu.memory_space<hbm>>) target_semaphore(%run_scoped3A : memref<!tpu.dma_semaphore, #tpu.memory_space<semaphore_mem>>)
          %dma_wait3A_48 = arith.constant 0 : i32
          %dma_wait3A_49 = tpu.memref_slice %arg4[%add3A_43, %dma_wait3A_48] : memref<800000x128xf32, #tpu.memory_space<hbm>> -> memref<200x128xf32, #tpu.memory_space<hbm>>
          %dma_wait3A_50 = arith.constant 0 : i32
          %dma_wait3A_51 = tpu.memref_slice %arg4[%add3A_43, %dma_wait3A_50] : memref<800000x128xf32, #tpu.memory_space<hbm>> -> memref<200x128xf32, #tpu.memory_space<hbm>>
          tpu.wait_dma2 semaphore(%run_scoped3A : memref<!tpu.dma_semaphore, #tpu.memory_space<semaphore_mem>>) src(%arg7 : memref<200x128xf32, #tpu.memory_space<vmem>>) dst(%dma_wait3A_51 : memref<200x128xf32, #tpu.memory_space<hbm>>)
          tpu.yield
        }) : () -> ()
      } else {
      }
    }
    %scan3A_11 = arith.constant 125 : i32
    return
  }
}

#map = affine_map<(d0, d1) -> (0, 0)>
#map1 = affine_map<(d0, d1) -> (0)>
module attributes {stable_mosaic.version = 14 : i64} {
  func.func @_sc_gather(%arg0: i32, %arg1: i32, %arg2: memref<50000x128xf32, #tpu.memory_space<hbm>>, %arg3: memref<800000xi32, #tpu.memory_space<hbm>>, %arg4: memref<800000x128xf32, #tpu.memory_space<hbm>>, %arg5: memref<25000xi32, #tpu.memory_space<vmem>>, %arg6: memref<200x128xf32, #tpu.memory_space<vmem>>, %arg7: memref<200x128xf32, #tpu.memory_space<vmem>>, %arg8: memref<!tpu.dma_semaphore, #tpu.memory_space<semaphore_mem>>, %arg9: memref<!tpu.dma_semaphore, #tpu.memory_space<semaphore_mem>>) attributes {dimension_semantics = [#tpu.dimension_semantics<core_parallel>, #tpu.dimension_semantics<subcore_parallel>], iteration_bounds = array<i64: 2, 16>, scalar_prefetch = 0 : i64, scratch_operands = 5 : i64, tpu.core_type = #tpu.core_type<sc_vector_subcore>, window_params = [{transform_indices = #map}, {transform_indices = #map1}, {transform_indices = #map}]} {
    %mul3A = arith.constant 2 : i32
    %mul3A_0 = arith.muli %arg1, %mul3A : i32
    %add3A = arith.addi %mul3A_0, %arg0 : i32
    %mul3A_1 = arith.constant 25000 : i32
    %mul3A_2 = arith.muli %add3A, %mul3A_1 : i32
    "tpu.region"() ({
      %run_scoped3A = tpu.sem_alloc : memref<!tpu.dma_semaphore, #tpu.memory_space<semaphore_mem>>
      %dma_start3A_12 = tpu.memref_slice %arg3[%mul3A_2] : memref<800000xi32, #tpu.memory_space<hbm>> -> memref<25000xi32, #tpu.memory_space<hbm>>
      %dma_start3A_13 = tpu.memref_slice %arg3[%mul3A_2] : memref<800000xi32, #tpu.memory_space<hbm>> -> memref<25000xi32, #tpu.memory_space<hbm>>
      tpu.enqueue_dma source(%dma_start3A_13 : memref<25000xi32, #tpu.memory_space<hbm>>) target(%arg5 : memref<25000xi32, #tpu.memory_space<vmem>>) target_semaphore(%run_scoped3A : memref<!tpu.dma_semaphore, #tpu.memory_space<semaphore_mem>>)
      %dma_wait3A = tpu.memref_slice %arg3[%mul3A_2] : memref<800000xi32, #tpu.memory_space<hbm>> -> memref<25000xi32, #tpu.memory_space<hbm>>
      %dma_wait3A_14 = tpu.memref_slice %arg3[%mul3A_2] : memref<800000xi32, #tpu.memory_space<hbm>> -> memref<25000xi32, #tpu.memory_space<hbm>>
      tpu.wait_dma2 semaphore(%run_scoped3A : memref<!tpu.dma_semaphore, #tpu.memory_space<semaphore_mem>>) src(%dma_wait3A_14 : memref<25000xi32, #tpu.memory_space<hbm>>) dst(%arg5 : memref<25000xi32, #tpu.memory_space<vmem>>)
      tpu.yield
    }) : () -> ()
    %dma_start3A = arith.constant 0 : i32
    %dma_start3A_3 = tpu.memref_slice %arg5[%dma_start3A] : memref<25000xi32, #tpu.memory_space<vmem>> -> memref<200xi32, #tpu.memory_space<vmem>>
    %dma_start3A_4 = arith.constant 0 : i32
    %dma_start3A_5 = arith.constant 0 : i32
    %dma_start3A_6 = tpu.memref_slice %arg2[%dma_start3A_4, %dma_start3A_5] : memref<50000x128xf32, #tpu.memory_space<hbm>> -> memref<50000x128xf32, #tpu.memory_space<hbm>>
    tpu.enqueue_indirect_dma source(%dma_start3A_6 : memref<50000x128xf32, #tpu.memory_space<hbm>>) target(%arg6 : memref<200x128xf32, #tpu.memory_space<vmem>>) offsets(%dma_start3A_3 : memref<200xi32, #tpu.memory_space<vmem>>) semaphore(%arg8 : memref<!tpu.dma_semaphore, #tpu.memory_space<semaphore_mem>>)
    %scan3A = arith.constant 0 : i32
    %scan3A_7 = arith.constant 0 : i32
    %scan3A_8 = arith.constant 125 : i32
    %scan3A_9 = arith.addi %scan3A_7, %scan3A_8 : i32
    %scan3A_10 = arith.constant 1 : i32
    scf.for %scan3A_12 = %scan3A_7 to %scan3A_9 step %scan3A_10  : i32 {
      %jit3A = arith.constant 2 : i32
      %eq3A = arith.constant 0 : i32
      %eq3A_13 = arith.cmpi eq, %jit3A, %eq3A : i32
      %jit3A_14 = arith.constant 1 : i32
      %select_n3A = arith.select %eq3A_13, %jit3A_14, %jit3A : i32
      %rem3A = arith.remsi %scan3A_12, %select_n3A : i32
      %ne3A = arith.constant 0 : i32
      %ne3A_15 = arith.cmpi ne, %rem3A, %ne3A : i32
      %lt3A = arith.constant 0 : i32
      %lt3A_16 = arith.cmpi slt, %rem3A, %lt3A : i32
      %lt3A_17 = arith.constant 0 : i32
      %lt3A_18 = arith.cmpi slt, %select_n3A, %lt3A_17 : i32
      %ne3A_19 = arith.xori %lt3A_16, %lt3A_18 : i1
      %and3A = arith.andi %ne3A_19, %ne3A_15 : i1
      %add3A_20 = arith.addi %rem3A, %select_n3A : i32
      %select_n3A_21 = arith.select %and3A, %add3A_20, %rem3A : i32
      %eq3A_22 = arith.constant 0 : i32
      %eq3A_23 = arith.cmpi eq, %select_n3A_21, %eq3A_22 : i32
      %convert_element_type3A = arith.extui %eq3A_23 : i1 to i32
      %cond3A = arith.constant 0 : i32
      %cond3A_24 = arith.cmpi ne, %convert_element_type3A, %cond3A : i32
      scf.if %cond3A_24 {
        %mul3A_29 = arith.constant 200 : i32
        %mul3A_30 = arith.muli %scan3A_12, %mul3A_29 : i32
        %dma_wait3A = tpu.memref_slice %arg5[%mul3A_30] : memref<25000xi32, #tpu.memory_space<vmem>> -> memref<200xi32, #tpu.memory_space<vmem>>
        %dma_wait3A_31 = arith.constant 0 : i32
        %dma_wait3A_32 = arith.constant 0 : i32
        %dma_wait3A_33 = tpu.memref_slice %arg2[%dma_wait3A_31, %dma_wait3A_32] : memref<50000x128xf32, #tpu.memory_space<hbm>> -> memref<50000x128xf32, #tpu.memory_space<hbm>>
        tpu.wait_indirect_dma semaphore(%arg8 : memref<!tpu.dma_semaphore, #tpu.memory_space<semaphore_mem>>) src(%dma_wait3A_33 : memref<50000x128xf32, #tpu.memory_space<hbm>>) dst(%arg6 : memref<200x128xf32, #tpu.memory_space<vmem>>)
        %add3A_34 = arith.constant 1 : i32
        %add3A_35 = arith.addi %scan3A_12, %add3A_34 : i32
        %lt3A_36 = arith.constant 125 : i32
        %lt3A_37 = arith.cmpi slt, %add3A_35, %lt3A_36 : i32
        %convert_element_type3A_38 = arith.extui %lt3A_37 : i1 to i32
        %cond3A_39 = arith.constant 0 : i32
        %cond3A_40 = arith.cmpi ne, %convert_element_type3A_38, %cond3A_39 : i32
        scf.if %cond3A_40 {
          %add3A_44 = arith.constant 1 : i32
          %add3A_45 = arith.addi %scan3A_12, %add3A_44 : i32
          %mul3A_46 = arith.constant 200 : i32
          %mul3A_47 = arith.muli %add3A_45, %mul3A_46 : i32
          %dma_start3A_48 = tpu.memref_slice %arg5[%mul3A_47] : memref<25000xi32, #tpu.memory_space<vmem>> -> memref<200xi32, #tpu.memory_space<vmem>>
          %dma_start3A_49 = arith.constant 0 : i32
          %dma_start3A_50 = arith.constant 0 : i32
          %dma_start3A_51 = tpu.memref_slice %arg2[%dma_start3A_49, %dma_start3A_50] : memref<50000x128xf32, #tpu.memory_space<hbm>> -> memref<50000x128xf32, #tpu.memory_space<hbm>>
          tpu.enqueue_indirect_dma source(%dma_start3A_51 : memref<50000x128xf32, #tpu.memory_space<hbm>>) target(%arg7 : memref<200x128xf32, #tpu.memory_space<vmem>>) offsets(%dma_start3A_48 : memref<200xi32, #tpu.memory_space<vmem>>) semaphore(%arg9 : memref<!tpu.dma_semaphore, #tpu.memory_space<semaphore_mem>>)
        } else {
        }
        %mul3A_41 = arith.constant 200 : i32
        %mul3A_42 = arith.muli %scan3A_12, %mul3A_41 : i32
        %add3A_43 = arith.addi %mul3A_2, %mul3A_42 : i32
        "tpu.region"() ({
          %run_scoped3A = tpu.sem_alloc : memref<!tpu.dma_semaphore, #tpu.memory_space<semaphore_mem>>
          %dma_start3A_44 = arith.constant 0 : i32
          %dma_start3A_45 = tpu.memref_slice %arg4[%add3A_43, %dma_start3A_44] : memref<800000x128xf32, #tpu.memory_space<hbm>> -> memref<200x128xf32, #tpu.memory_space<hbm>>
          %dma_start3A_46 = arith.constant 0 : i32
          %dma_start3A_47 = tpu.memref_slice %arg4[%add3A_43, %dma_start3A_46] : memref<800000x128xf32, #tpu.memory_space<hbm>> -> memref<200x128xf32, #tpu.memory_space<hbm>>
          tpu.enqueue_dma source(%arg6 : memref<200x128xf32, #tpu.memory_space<vmem>>) target(%dma_start3A_47 : memref<200x128xf32, #tpu.memory_space<hbm>>) target_semaphore(%run_scoped3A : memref<!tpu.dma_semaphore, #tpu.memory_space<semaphore_mem>>)
          %dma_wait3A_48 = arith.constant 0 : i32
          %dma_wait3A_49 = tpu.memref_slice %arg4[%add3A_43, %dma_wait3A_48] : memref<800000x128xf32, #tpu.memory_space<hbm>> -> memref<200x128xf32, #tpu.memory_space<hbm>>
          %dma_wait3A_50 = arith.constant 0 : i32
          %dma_wait3A_51 = tpu.memref_slice %arg4[%add3A_43, %dma_wait3A_50] : memref<800000x128xf32, #tpu.memory_space<hbm>> -> memref<200x128xf32, #tpu.memory_space<hbm>>
          tpu.wait_dma2 semaphore(%run_scoped3A : memref<!tpu.dma_semaphore, #tpu.memory_space<semaphore_mem>>) src(%arg6 : memref<200x128xf32, #tpu.memory_space<vmem>>) dst(%dma_wait3A_51 : memref<200x128xf32, #tpu.memory_space<hbm>>)
          tpu.yield
        }) : () -> ()
      } else {
      }
      %not3A = arith.constant true
      %not3A_25 = arith.xori %eq3A_23, %not3A : i1
      %convert_element_type3A_26 = arith.extui %not3A_25 : i1 to i32
      %cond3A_27 = arith.constant 0 : i32
      %cond3A_28 = arith.cmpi ne, %convert_element_type3A_26, %cond3A_27 : i32
      scf.if %cond3A_28 {
        %mul3A_29 = arith.constant 200 : i32
        %mul3A_30 = arith.muli %scan3A_12, %mul3A_29 : i32
        %dma_wait3A = tpu.memref_slice %arg5[%mul3A_30] : memref<25000xi32, #tpu.memory_space<vmem>> -> memref<200xi32, #tpu.memory_space<vmem>>
        %dma_wait3A_31 = arith.constant 0 : i32
        %dma_wait3A_32 = arith.constant 0 : i32
        %dma_wait3A_33 = tpu.memref_slice %arg2[%dma_wait3A_31, %dma_wait3A_32] : memref<50000x128xf32, #tpu.memory_space<hbm>> -> memref<50000x128xf32, #tpu.memory_space<hbm>>
        tpu.wait_indirect_dma semaphore(%arg9 : memref<!tpu.dma_semaphore, #tpu.memory_space<semaphore_mem>>) src(%dma_wait3A_33 : memref<50000x128xf32, #tpu.memory_space<hbm>>) dst(%arg7 : memref<200x128xf32, #tpu.memory_space<vmem>>)
        %add3A_34 = arith.constant 1 : i32
        %add3A_35 = arith.addi %scan3A_12, %add3A_34 : i32
        %lt3A_36 = arith.constant 125 : i32
        %lt3A_37 = arith.cmpi slt, %add3A_35, %lt3A_36 : i32
        %convert_element_type3A_38 = arith.extui %lt3A_37 : i1 to i32
        %cond3A_39 = arith.constant 0 : i32
        %cond3A_40 = arith.cmpi ne, %convert_element_type3A_38, %cond3A_39 : i32
        scf.if %cond3A_40 {
          %add3A_44 = arith.constant 1 : i32
          %add3A_45 = arith.addi %scan3A_12, %add3A_44 : i32
          %mul3A_46 = arith.constant 200 : i32
          %mul3A_47 = arith.muli %add3A_45, %mul3A_46 : i32
          %dma_start3A_48 = tpu.memref_slice %arg5[%mul3A_47] : memref<25000xi32, #tpu.memory_space<vmem>> -> memref<200xi32, #tpu.memory_space<vmem>>
          %dma_start3A_49 = arith.constant 0 : i32
          %dma_start3A_50 = arith.constant 0 : i32
          %dma_start3A_51 = tpu.memref_slice %arg2[%dma_start3A_49, %dma_start3A_50] : memref<50000x128xf32, #tpu.memory_space<hbm>> -> memref<50000x128xf32, #tpu.memory_space<hbm>>
          tpu.enqueue_indirect_dma source(%dma_start3A_51 : memref<50000x128xf32, #tpu.memory_space<hbm>>) target(%arg6 : memref<200x128xf32, #tpu.memory_space<vmem>>) offsets(%dma_start3A_48 : memref<200xi32, #tpu.memory_space<vmem>>) semaphore(%arg8 : memref<!tpu.dma_semaphore, #tpu.memory_space<semaphore_mem>>)
        } else {
        }
        %mul3A_41 = arith.constant 200 : i32
        %mul3A_42 = arith.muli %scan3A_12, %mul3A_41 : i32
        %add3A_43 = arith.addi %mul3A_2, %mul3A_42 : i32
        "tpu.region"() ({
          %run_scoped3A = tpu.sem_alloc : memref<!tpu.dma_semaphore, #tpu.memory_space<semaphore_mem>>
          %dma_start3A_44 = arith.constant 0 : i32
          %dma_start3A_45 = tpu.memref_slice %arg4[%add3A_43, %dma_start3A_44] : memref<800000x128xf32, #tpu.memory_space<hbm>> -> memref<200x128xf32, #tpu.memory_space<hbm>>
          %dma_start3A_46 = arith.constant 0 : i32
          %dma_start3A_47 = tpu.memref_slice %arg4[%add3A_43, %dma_start3A_46] : memref<800000x128xf32, #tpu.memory_space<hbm>> -> memref<200x128xf32, #tpu.memory_space<hbm>>
          tpu.enqueue_dma source(%arg7 : memref<200x128xf32, #tpu.memory_space<vmem>>) target(%dma_start3A_47 : memref<200x128xf32, #tpu.memory_space<hbm>>) target_semaphore(%run_scoped3A : memref<!tpu.dma_semaphore, #tpu.memory_space<semaphore_mem>>)
          %dma_wait3A_48 = arith.constant 0 : i32
          %dma_wait3A_49 = tpu.memref_slice %arg4[%add3A_43, %dma_wait3A_48] : memref<800000x128xf32, #tpu.memory_space<hbm>> -> memref<200x128xf32, #tpu.memory_space<hbm>>
          %dma_wait3A_50 = arith.constant 0 : i32
          %dma_wait3A_51 = tpu.memref_slice %arg4[%add3A_43, %dma_wait3A_50] : memref<800000x128xf32, #tpu.memory_space<hbm>> -> memref<200x128xf32, #tpu.memory_space<hbm>>
          tpu.wait_dma2 semaphore(%run_scoped3A : memref<!tpu.dma_semaphore, #tpu.memory_space<semaphore_mem>>) src(%arg7 : memref<200x128xf32, #tpu.memory_space<vmem>>) dst(%dma_wait3A_51 : memref<200x128xf32, #tpu.memory_space<hbm>>)
          tpu.yield
        }) : () -> ()
      } else {
      }
    }
    %scan3A_11 = arith.constant 125 : i32
    return
  }
}

#map = affine_map<(d0, d1) -> (0, 0)>
#map1 = affine_map<(d0, d1) -> (0)>
module attributes {stable_mosaic.version = 14 : i64} {
  func.func @_sc_gather(%arg0: i32, %arg1: i32, %arg2: memref<50000x128xf32, #tpu.memory_space<hbm>>, %arg3: memref<800000xi32, #tpu.memory_space<hbm>>, %arg4: memref<800000x128xf32, #tpu.memory_space<hbm>>, %arg5: memref<25000xi32, #tpu.memory_space<vmem>>, %arg6: memref<200x128xf32, #tpu.memory_space<vmem>>, %arg7: memref<200x128xf32, #tpu.memory_space<vmem>>, %arg8: memref<!tpu.dma_semaphore, #tpu.memory_space<semaphore_mem>>, %arg9: memref<!tpu.dma_semaphore, #tpu.memory_space<semaphore_mem>>) attributes {dimension_semantics = [#tpu.dimension_semantics<core_parallel>, #tpu.dimension_semantics<subcore_parallel>], iteration_bounds = array<i64: 2, 16>, scalar_prefetch = 0 : i64, scratch_operands = 5 : i64, tpu.core_type = #tpu.core_type<sc_vector_subcore>, window_params = [{transform_indices = #map}, {transform_indices = #map1}, {transform_indices = #map}]} {
    %mul3A = arith.constant 2 : i32
    %mul3A_0 = arith.muli %arg1, %mul3A : i32
    %add3A = arith.addi %mul3A_0, %arg0 : i32
    %mul3A_1 = arith.constant 25000 : i32
    %mul3A_2 = arith.muli %add3A, %mul3A_1 : i32
    "tpu.region"() ({
      %run_scoped3A = tpu.sem_alloc : memref<!tpu.dma_semaphore, #tpu.memory_space<semaphore_mem>>
      %dma_start3A_12 = tpu.memref_slice %arg3[%mul3A_2] : memref<800000xi32, #tpu.memory_space<hbm>> -> memref<25000xi32, #tpu.memory_space<hbm>>
      %dma_start3A_13 = tpu.memref_slice %arg3[%mul3A_2] : memref<800000xi32, #tpu.memory_space<hbm>> -> memref<25000xi32, #tpu.memory_space<hbm>>
      tpu.enqueue_dma source(%dma_start3A_13 : memref<25000xi32, #tpu.memory_space<hbm>>) target(%arg5 : memref<25000xi32, #tpu.memory_space<vmem>>) target_semaphore(%run_scoped3A : memref<!tpu.dma_semaphore, #tpu.memory_space<semaphore_mem>>)
      %dma_wait3A = tpu.memref_slice %arg3[%mul3A_2] : memref<800000xi32, #tpu.memory_space<hbm>> -> memref<25000xi32, #tpu.memory_space<hbm>>
      %dma_wait3A_14 = tpu.memref_slice %arg3[%mul3A_2] : memref<800000xi32, #tpu.memory_space<hbm>> -> memref<25000xi32, #tpu.memory_space<hbm>>
      tpu.wait_dma2 semaphore(%run_scoped3A : memref<!tpu.dma_semaphore, #tpu.memory_space<semaphore_mem>>) src(%dma_wait3A_14 : memref<25000xi32, #tpu.memory_space<hbm>>) dst(%arg5 : memref<25000xi32, #tpu.memory_space<vmem>>)
      tpu.yield
    }) : () -> ()
    %dma_start3A = arith.constant 0 : i32
    %dma_start3A_3 = tpu.memref_slice %arg5[%dma_start3A] : memref<25000xi32, #tpu.memory_space<vmem>> -> memref<200xi32, #tpu.memory_space<vmem>>
    %dma_start3A_4 = arith.constant 0 : i32
    %dma_start3A_5 = arith.constant 0 : i32
    %dma_start3A_6 = tpu.memref_slice %arg2[%dma_start3A_4, %dma_start3A_5] : memref<50000x128xf32, #tpu.memory_space<hbm>> -> memref<50000x128xf32, #tpu.memory_space<hbm>>
    tpu.enqueue_indirect_dma source(%dma_start3A_6 : memref<50000x128xf32, #tpu.memory_space<hbm>>) target(%arg6 : memref<200x128xf32, #tpu.memory_space<vmem>>) offsets(%dma_start3A_3 : memref<200xi32, #tpu.memory_space<vmem>>) semaphore(%arg8 : memref<!tpu.dma_semaphore, #tpu.memory_space<semaphore_mem>>)
    %scan3A = arith.constant 0 : i32
    %scan3A_7 = arith.constant 0 : i32
    %scan3A_8 = arith.constant 125 : i32
    %scan3A_9 = arith.addi %scan3A_7, %scan3A_8 : i32
    %scan3A_10 = arith.constant 1 : i32
    scf.for %scan3A_12 = %scan3A_7 to %scan3A_9 step %scan3A_10  : i32 {
      %jit3A = arith.constant 2 : i32
      %eq3A = arith.constant 0 : i32
      %eq3A_13 = arith.cmpi eq, %jit3A, %eq3A : i32
      %jit3A_14 = arith.constant 1 : i32
      %select_n3A = arith.select %eq3A_13, %jit3A_14, %jit3A : i32
      %rem3A = arith.remsi %scan3A_12, %select_n3A : i32
      %ne3A = arith.constant 0 : i32
      %ne3A_15 = arith.cmpi ne, %rem3A, %ne3A : i32
      %lt3A = arith.constant 0 : i32
      %lt3A_16 = arith.cmpi slt, %rem3A, %lt3A : i32
      %lt3A_17 = arith.constant 0 : i32
      %lt3A_18 = arith.cmpi slt, %select_n3A, %lt3A_17 : i32
      %ne3A_19 = arith.xori %lt3A_16, %lt3A_18 : i1
      %and3A = arith.andi %ne3A_19, %ne3A_15 : i1
      %add3A_20 = arith.addi %rem3A, %select_n3A : i32
      %select_n3A_21 = arith.select %and3A, %add3A_20, %rem3A : i32
      %eq3A_22 = arith.constant 0 : i32
      %eq3A_23 = arith.cmpi eq, %select_n3A_21, %eq3A_22 : i32
      %convert_element_type3A = arith.extui %eq3A_23 : i1 to i32
      %cond3A = arith.constant 0 : i32
      %cond3A_24 = arith.cmpi ne, %convert_element_type3A, %cond3A : i32
      scf.if %cond3A_24 {
        %mul3A_29 = arith.constant 200 : i32
        %mul3A_30 = arith.muli %scan3A_12, %mul3A_29 : i32
        %dma_wait3A = tpu.memref_slice %arg5[%mul3A_30] : memref<25000xi32, #tpu.memory_space<vmem>> -> memref<200xi32, #tpu.memory_space<vmem>>
        %dma_wait3A_31 = arith.constant 0 : i32
        %dma_wait3A_32 = arith.constant 0 : i32
        %dma_wait3A_33 = tpu.memref_slice %arg2[%dma_wait3A_31, %dma_wait3A_32] : memref<50000x128xf32, #tpu.memory_space<hbm>> -> memref<50000x128xf32, #tpu.memory_space<hbm>>
        tpu.wait_indirect_dma semaphore(%arg8 : memref<!tpu.dma_semaphore, #tpu.memory_space<semaphore_mem>>) src(%dma_wait3A_33 : memref<50000x128xf32, #tpu.memory_space<hbm>>) dst(%arg6 : memref<200x128xf32, #tpu.memory_space<vmem>>)
        %add3A_34 = arith.constant 1 : i32
        %add3A_35 = arith.addi %scan3A_12, %add3A_34 : i32
        %lt3A_36 = arith.constant 125 : i32
        %lt3A_37 = arith.cmpi slt, %add3A_35, %lt3A_36 : i32
        %convert_element_type3A_38 = arith.extui %lt3A_37 : i1 to i32
        %cond3A_39 = arith.constant 0 : i32
        %cond3A_40 = arith.cmpi ne, %convert_element_type3A_38, %cond3A_39 : i32
        scf.if %cond3A_40 {
          %add3A_44 = arith.constant 1 : i32
          %add3A_45 = arith.addi %scan3A_12, %add3A_44 : i32
          %mul3A_46 = arith.constant 200 : i32
          %mul3A_47 = arith.muli %add3A_45, %mul3A_46 : i32
          %dma_start3A_48 = tpu.memref_slice %arg5[%mul3A_47] : memref<25000xi32, #tpu.memory_space<vmem>> -> memref<200xi32, #tpu.memory_space<vmem>>
          %dma_start3A_49 = arith.constant 0 : i32
          %dma_start3A_50 = arith.constant 0 : i32
          %dma_start3A_51 = tpu.memref_slice %arg2[%dma_start3A_49, %dma_start3A_50] : memref<50000x128xf32, #tpu.memory_space<hbm>> -> memref<50000x128xf32, #tpu.memory_space<hbm>>
          tpu.enqueue_indirect_dma source(%dma_start3A_51 : memref<50000x128xf32, #tpu.memory_space<hbm>>) target(%arg7 : memref<200x128xf32, #tpu.memory_space<vmem>>) offsets(%dma_start3A_48 : memref<200xi32, #tpu.memory_space<vmem>>) semaphore(%arg9 : memref<!tpu.dma_semaphore, #tpu.memory_space<semaphore_mem>>)
        } else {
        }
        %mul3A_41 = arith.constant 200 : i32
        %mul3A_42 = arith.muli %scan3A_12, %mul3A_41 : i32
        %add3A_43 = arith.addi %mul3A_2, %mul3A_42 : i32
        "tpu.region"() ({
          %run_scoped3A = tpu.sem_alloc : memref<!tpu.dma_semaphore, #tpu.memory_space<semaphore_mem>>
          %dma_start3A_44 = arith.constant 0 : i32
          %dma_start3A_45 = tpu.memref_slice %arg4[%add3A_43, %dma_start3A_44] : memref<800000x128xf32, #tpu.memory_space<hbm>> -> memref<200x128xf32, #tpu.memory_space<hbm>>
          %dma_start3A_46 = arith.constant 0 : i32
          %dma_start3A_47 = tpu.memref_slice %arg4[%add3A_43, %dma_start3A_46] : memref<800000x128xf32, #tpu.memory_space<hbm>> -> memref<200x128xf32, #tpu.memory_space<hbm>>
          tpu.enqueue_dma source(%arg6 : memref<200x128xf32, #tpu.memory_space<vmem>>) target(%dma_start3A_47 : memref<200x128xf32, #tpu.memory_space<hbm>>) target_semaphore(%run_scoped3A : memref<!tpu.dma_semaphore, #tpu.memory_space<semaphore_mem>>)
          %dma_wait3A_48 = arith.constant 0 : i32
          %dma_wait3A_49 = tpu.memref_slice %arg4[%add3A_43, %dma_wait3A_48] : memref<800000x128xf32, #tpu.memory_space<hbm>> -> memref<200x128xf32, #tpu.memory_space<hbm>>
          %dma_wait3A_50 = arith.constant 0 : i32
          %dma_wait3A_51 = tpu.memref_slice %arg4[%add3A_43, %dma_wait3A_50] : memref<800000x128xf32, #tpu.memory_space<hbm>> -> memref<200x128xf32, #tpu.memory_space<hbm>>
          tpu.wait_dma2 semaphore(%run_scoped3A : memref<!tpu.dma_semaphore, #tpu.memory_space<semaphore_mem>>) src(%arg6 : memref<200x128xf32, #tpu.memory_space<vmem>>) dst(%dma_wait3A_51 : memref<200x128xf32, #tpu.memory_space<hbm>>)
          tpu.yield
        }) : () -> ()
      } else {
      }
      %not3A = arith.constant true
      %not3A_25 = arith.xori %eq3A_23, %not3A : i1
      %convert_element_type3A_26 = arith.extui %not3A_25 : i1 to i32
      %cond3A_27 = arith.constant 0 : i32
      %cond3A_28 = arith.cmpi ne, %convert_element_type3A_26, %cond3A_27 : i32
      scf.if %cond3A_28 {
        %mul3A_29 = arith.constant 200 : i32
        %mul3A_30 = arith.muli %scan3A_12, %mul3A_29 : i32
        %dma_wait3A = tpu.memref_slice %arg5[%mul3A_30] : memref<25000xi32, #tpu.memory_space<vmem>> -> memref<200xi32, #tpu.memory_space<vmem>>
        %dma_wait3A_31 = arith.constant 0 : i32
        %dma_wait3A_32 = arith.constant 0 : i32
        %dma_wait3A_33 = tpu.memref_slice %arg2[%dma_wait3A_31, %dma_wait3A_32] : memref<50000x128xf32, #tpu.memory_space<hbm>> -> memref<50000x128xf32, #tpu.memory_space<hbm>>
        tpu.wait_indirect_dma semaphore(%arg9 : memref<!tpu.dma_semaphore, #tpu.memory_space<semaphore_mem>>) src(%dma_wait3A_33 : memref<50000x128xf32, #tpu.memory_space<hbm>>) dst(%arg7 : memref<200x128xf32, #tpu.memory_space<vmem>>)
        %add3A_34 = arith.constant 1 : i32
        %add3A_35 = arith.addi %scan3A_12, %add3A_34 : i32
        %lt3A_36 = arith.constant 125 : i32
        %lt3A_37 = arith.cmpi slt, %add3A_35, %lt3A_36 : i32
        %convert_element_type3A_38 = arith.extui %lt3A_37 : i1 to i32
        %cond3A_39 = arith.constant 0 : i32
        %cond3A_40 = arith.cmpi ne, %convert_element_type3A_38, %cond3A_39 : i32
        scf.if %cond3A_40 {
          %add3A_44 = arith.constant 1 : i32
          %add3A_45 = arith.addi %scan3A_12, %add3A_44 : i32
          %mul3A_46 = arith.constant 200 : i32
          %mul3A_47 = arith.muli %add3A_45, %mul3A_46 : i32
          %dma_start3A_48 = tpu.memref_slice %arg5[%mul3A_47] : memref<25000xi32, #tpu.memory_space<vmem>> -> memref<200xi32, #tpu.memory_space<vmem>>
          %dma_start3A_49 = arith.constant 0 : i32
          %dma_start3A_50 = arith.constant 0 : i32
          %dma_start3A_51 = tpu.memref_slice %arg2[%dma_start3A_49, %dma_start3A_50] : memref<50000x128xf32, #tpu.memory_space<hbm>> -> memref<50000x128xf32, #tpu.memory_space<hbm>>
          tpu.enqueue_indirect_dma source(%dma_start3A_51 : memref<50000x128xf32, #tpu.memory_space<hbm>>) target(%arg6 : memref<200x128xf32, #tpu.memory_space<vmem>>) offsets(%dma_start3A_48 : memref<200xi32, #tpu.memory_space<vmem>>) semaphore(%arg8 : memref<!tpu.dma_semaphore, #tpu.memory_space<semaphore_mem>>)
        } else {
        }
        %mul3A_41 = arith.constant 200 : i32
        %mul3A_42 = arith.muli %scan3A_12, %mul3A_41 : i32
        %add3A_43 = arith.addi %mul3A_2, %mul3A_42 : i32
        "tpu.region"() ({
          %run_scoped3A = tpu.sem_alloc : memref<!tpu.dma_semaphore, #tpu.memory_space<semaphore_mem>>
          %dma_start3A_44 = arith.constant 0 : i32
          %dma_start3A_45 = tpu.memref_slice %arg4[%add3A_43, %dma_start3A_44] : memref<800000x128xf32, #tpu.memory_space<hbm>> -> memref<200x128xf32, #tpu.memory_space<hbm>>
          %dma_start3A_46 = arith.constant 0 : i32
          %dma_start3A_47 = tpu.memref_slice %arg4[%add3A_43, %dma_start3A_46] : memref<800000x128xf32, #tpu.memory_space<hbm>> -> memref<200x128xf32, #tpu.memory_space<hbm>>
          tpu.enqueue_dma source(%arg7 : memref<200x128xf32, #tpu.memory_space<vmem>>) target(%dma_start3A_47 : memref<200x128xf32, #tpu.memory_space<hbm>>) target_semaphore(%run_scoped3A : memref<!tpu.dma_semaphore, #tpu.memory_space<semaphore_mem>>)
          %dma_wait3A_48 = arith.constant 0 : i32
          %dma_wait3A_49 = tpu.memref_slice %arg4[%add3A_43, %dma_wait3A_48] : memref<800000x128xf32, #tpu.memory_space<hbm>> -> memref<200x128xf32, #tpu.memory_space<hbm>>
          %dma_wait3A_50 = arith.constant 0 : i32
          %dma_wait3A_51 = tpu.memref_slice %arg4[%add3A_43, %dma_wait3A_50] : memref<800000x128xf32, #tpu.memory_space<hbm>> -> memref<200x128xf32, #tpu.memory_space<hbm>>
          tpu.wait_dma2 semaphore(%run_scoped3A : memref<!tpu.dma_semaphore, #tpu.memory_space<semaphore_mem>>) src(%arg7 : memref<200x128xf32, #tpu.memory_space<vmem>>) dst(%dma_wait3A_51 : memref<200x128xf32, #tpu.memory_space<hbm>>)
          tpu.yield
        }) : () -> ()
      } else {
      }
    }
    %scan3A_11 = arith.constant 125 : i32
    return
  }
}

module attributes {stable_mosaic.version = 14 : i64} {
  func.func @_emb_body(%arg0: i32, %arg1: memref<5000x128xf32, #tpu.memory_space<vmem>>, %arg2: memref<128x64xf32, #tpu.memory_space<vmem>>, %arg3: memref<1x64xf32, #tpu.memory_space<vmem>>, %arg4: memref<64x128xf32, #tpu.memory_space<vmem>>, %arg5: memref<5000x64xf32, #tpu.memory_space<vmem>>, %arg6: memref<5000x128xf32, #tpu.memory_space<vmem>>) attributes {dimension_semantics = [#tpu.dimension_semantics<arbitrary>], iteration_bounds = array<i64: 10>, scalar_prefetch = 0 : i64, scratch_operands = 0 : i64, tpu.core_type = #tpu.core_type<tc>, window_params = [{transform_indices = @transform_0, window_bounds = array<i64: 5000, 128>}, {pipeline_mode = #tpu.pipeline_mode<synchronous>, transform_indices = @transform_1, window_bounds = array<i64: 128, 64>}, {pipeline_mode = #tpu.pipeline_mode<synchronous>, transform_indices = @transform_2, window_bounds = array<i64: 1, 64>}, {pipeline_mode = #tpu.pipeline_mode<synchronous>, transform_indices = @transform_3, window_bounds = array<i64: 64, 128>}, {transform_indices = @transform_4, window_bounds = array<i64: 5000, 64>}, {transform_indices = @transform_5, window_bounds = array<i64: 5000, 128>}]} {
    %get3A = arith.constant 0 : index
    %get3A_0 = arith.constant 0 : index
    %get3A_1 = vector.load %arg1[%get3A, %get3A_0] : memref<5000x128xf32, #tpu.memory_space<vmem>>, vector<5000x128xf32>
    %get3A_2 = arith.constant 0 : index
    %get3A_3 = arith.constant 0 : index
    %get3A_4 = vector.load %arg2[%get3A_2, %get3A_3] : memref<128x64xf32, #tpu.memory_space<vmem>>, vector<128x64xf32>
    %convert_element_type3A = arith.truncf %get3A_1 : vector<5000x128xf32> to vector<5000x128xbf16>
    %convert_element_type3A_5 = arith.truncf %get3A_4 : vector<128x64xf32> to vector<128x64xbf16>
    %dot_general3A = arith.constant dense<0.000000e+00> : vector<5000x64xf32>
    %dot_general3A_6 = tpu.matmul %convert_element_type3A, %convert_element_type3A_5, %dot_general3A {dimension_numbers = #tpu.dot_dimension_numbers<[1], [0], [0], [1], [0, 0, 1, 1], [], []>, transpose_lhs_hint = false} : vector<5000x128xbf16>, vector<128x64xbf16>, vector<5000x64xf32> -> vector<5000x64xf32>
    %get3A_7 = arith.constant 0 : index
    %get3A_8 = arith.constant 0 : index
    %get3A_9 = vector.load %arg3[%get3A_7, %get3A_8] : memref<1x64xf32, #tpu.memory_space<vmem>>, vector<1x64xf32>
    %add3A = vector.broadcast %get3A_9 : vector<1x64xf32> to vector<5000x64xf32>
    %add3A_10 = arith.addf %dot_general3A_6, %add3A : vector<5000x64xf32>
    %swap3A = arith.constant 0 : index
    %swap3A_11 = arith.constant 0 : index
    %swap3A_12 = vector.load %arg5[%swap3A, %swap3A_11] : memref<5000x64xf32, #tpu.memory_space<vmem>>, vector<5000x64xf32>
    tpu.vector_store %arg5[%swap3A, %swap3A_11], %add3A_10 {strides = array<i32>} : memref<5000x64xf32, #tpu.memory_space<vmem>>, vector<5000x64xf32>,
    %get3A_13 = arith.constant 0 : index
    %get3A_14 = arith.constant 0 : index
    %get3A_15 = vector.load %arg4[%get3A_13, %get3A_14] : memref<64x128xf32, #tpu.memory_space<vmem>>, vector<64x128xf32>
    %convert_element_type3A_16 = arith.truncf %add3A_10 : vector<5000x64xf32> to vector<5000x64xbf16>
    %convert_element_type3A_17 = arith.truncf %get3A_15 : vector<64x128xf32> to vector<64x128xbf16>
    %dot_general3A_18 = arith.constant dense<0.000000e+00> : vector<5000x128xf32>
    %dot_general3A_19 = tpu.matmul %convert_element_type3A_16, %convert_element_type3A_17, %dot_general3A_18 {dimension_numbers = #tpu.dot_dimension_numbers<[1], [0], [0], [1], [0, 0, 1, 1], [], []>, transpose_lhs_hint = false} : vector<5000x64xbf16>, vector<64x128xbf16>, vector<5000x128xf32> -> vector<5000x128xf32>
    %swap3A_20 = arith.constant 0 : index
    %swap3A_21 = arith.constant 0 : index
    %swap3A_22 = vector.load %arg6[%swap3A_20, %swap3A_21] : memref<5000x128xf32, #tpu.memory_space<vmem>>, vector<5000x128xf32>
    tpu.vector_store %arg6[%swap3A_20, %swap3A_21], %dot_general3A_19 {strides = array<i32>} : memref<5000x128xf32, #tpu.memory_space<vmem>>, vector<5000x128xf32>,
    return
  }
  func.func @transform_0(%arg0: i32) -> (i32, i32) {
    %c0_i32 = arith.constant 0 : i32
    %c0_i32_0 = arith.constant 0 : i32
    return %arg0, %c0_i32 : i32, i32
  }
  func.func @transform_1(%arg0: i32) -> (i32, i32) {
    %c0_i32 = arith.constant 0 : i32
    %c0_i32_0 = arith.constant 0 : i32
    %c0_i32_1 = arith.constant 0 : i32
    return %c0_i32, %c0_i32_0 : i32, i32
  }
  func.func @transform_2(%arg0: i32) -> (i32, i32) {
    %c0_i32 = arith.constant 0 : i32
    %c0_i32_0 = arith.constant 0 : i32
    %c0_i32_1 = arith.constant 0 : i32
    return %c0_i32, %c0_i32_0 : i32, i32
  }
  func.func @transform_3(%arg0: i32) -> (i32, i32) {
    %c0_i32 = arith.constant 0 : i32
    %c0_i32_0 = arith.constant 0 : i32
    %c0_i32_1 = arith.constant 0 : i32
    return %c0_i32, %c0_i32_0 : i32, i32
  }
  func.func @transform_4(%arg0: i32) -> (i32, i32) {
    %c0_i32 = arith.constant 0 : i32
    %c0_i32_0 = arith.constant 0 : i32
    return %arg0, %c0_i32 : i32, i32
  }
  func.func @transform_5(%arg0: i32) -> (i32, i32) {
    %c0_i32 = arith.constant 0 : i32
    %c0_i32_0 = arith.constant 0 : i32
    return %arg0, %c0_i32 : i32, i32
  }
}

module attributes {stable_mosaic.version = 14 : i64} {
  func.func @_gate_body(%arg0: i32, %arg1: memref<6400x128xf32, #tpu.memory_space<vmem>>, %arg2: memref<6400x16xf32, #tpu.memory_space<vmem>>, %arg3: memref<400x64xf32, #tpu.memory_space<vmem>>, %arg4: memref<16x128xf32, #tpu.memory_space<vmem>>, %arg5: memref<64x128xf32, #tpu.memory_space<vmem>>, %arg6: memref<1x128xf32, #tpu.memory_space<vmem>>, %arg7: memref<2x128xf32, #tpu.memory_space<vmem>>, %arg8: memref<1x128xf32, #tpu.memory_space<vmem>>, %arg9: memref<1x128xf32, #tpu.memory_space<vmem>>, %arg10: memref<400x64xf32, #tpu.memory_space<vmem>>, %arg11: memref<2x64xf32, #tpu.memory_space<vmem>>, %arg12: memref<8x128xf32, #tpu.memory_space<vmem>>, %arg13: memref<8x128xf32, #tpu.memory_space<vmem>>) attributes {dimension_semantics = [#tpu.dimension_semantics<arbitrary>], iteration_bounds = array<i64: 125>, scalar_prefetch = 0 : i64, scratch_operands = 2 : i64, tpu.core_type = #tpu.core_type<tc>, window_params = [{transform_indices = @transform_0, window_bounds = array<i64: 6400, 128>}, {transform_indices = @transform_1, window_bounds = array<i64: 6400, 16>}, {transform_indices = @transform_2, window_bounds = array<i64: 400, 64>}, {pipeline_mode = #tpu.pipeline_mode<synchronous>, transform_indices = @transform_3, window_bounds = array<i64: 16, 128>}, {pipeline_mode = #tpu.pipeline_mode<synchronous>, transform_indices = @transform_4, window_bounds = array<i64: 64, 128>}, {pipeline_mode = #tpu.pipeline_mode<synchronous>, transform_indices = @transform_5, window_bounds = array<i64: 1, 128>}, {pipeline_mode = #tpu.pipeline_mode<synchronous>, transform_indices = @transform_6, window_bounds = array<i64: 2, 128>}, {pipeline_mode = #tpu.pipeline_mode<synchronous>, transform_indices = @transform_7, window_bounds = array<i64: 1, 128>}, {pipeline_mode = #tpu.pipeline_mode<synchronous>, transform_indices = @transform_8, window_bounds = array<i64: 1, 128>}, {transform_indices = @transform_9, window_bounds = array<i64: 400, 64>}, {pipeline_mode = #tpu.pipeline_mode<synchronous>, transform_indices = @transform_10, window_bounds = array<i64: 2, 64>}]} {
    %eq3A = arith.constant 0 : i32
    %eq3A_0 = arith.cmpi eq, %arg0, %eq3A : i32
    %convert_element_type3A = arith.extui %eq3A_0 : i1 to i32
    %cond3A = arith.constant 0 : i32
    %cond3A_1 = arith.cmpi ne, %convert_element_type3A, %cond3A : i32
    scf.if %cond3A_1 {
      %broadcast_in_dim3A_124 = arith.constant 0.000000e+00 : f32
      %broadcast_in_dim3A_125 = vector.broadcast %broadcast_in_dim3A_124 : f32 to vector<8x128xf32>
      %swap3A_126 = arith.constant 0 : index
      %swap3A_127 = arith.constant 0 : index
      %swap3A_128 = vector.load %arg12[%swap3A_126, %swap3A_127] : memref<8x128xf32, #tpu.memory_space<vmem>>, vector<8x128xf32>
      tpu.vector_store %arg12[%swap3A_126, %swap3A_127], %broadcast_in_dim3A_125 {strides = array<i32>} : memref<8x128xf32, #tpu.memory_space<vmem>>, vector<8x128xf32>,
      %broadcast_in_dim3A_129 = arith.constant 0.000000e+00 : f32
      %broadcast_in_dim3A_130 = vector.broadcast %broadcast_in_dim3A_129 : f32 to vector<8x128xf32>
      %swap3A_131 = arith.constant 0 : index
      %swap3A_132 = arith.constant 0 : index
      %swap3A_133 = vector.load %arg13[%swap3A_131, %swap3A_132] : memref<8x128xf32, #tpu.memory_space<vmem>>, vector<8x128xf32>
      tpu.vector_store %arg13[%swap3A_131, %swap3A_132], %broadcast_in_dim3A_130 {strides = array<i32>} : memref<8x128xf32, #tpu.memory_space<vmem>>, vector<8x128xf32>,
    } else {
    }
    %get3A = arith.constant 0 : index
    %get3A_2 = arith.constant 0 : index
    %get3A_3 = vector.load %arg7[%get3A, %get3A_2] : memref<2x128xf32, #tpu.memory_space<vmem>>, vector<1x128xf32>
    %div3A = arith.constant 8.000000e+05 : f32
    %div3A_4 = vector.broadcast %div3A : f32 to vector<1x128xf32>
    %div3A_5 = arith.divf %get3A_3, %div3A_4 : vector<1x128xf32>
    %get3A_6 = arith.constant 1 : index
    %get3A_7 = arith.constant 0 : index
    %get3A_8 = vector.load %arg7[%get3A_6, %get3A_7] : memref<2x128xf32, #tpu.memory_space<vmem>>, vector<1x128xf32>
    %div3A_9 = arith.constant 8.000000e+05 : f32
    %div3A_10 = vector.broadcast %div3A_9 : f32 to vector<1x128xf32>
    %div3A_11 = arith.divf %get3A_8, %div3A_10 : vector<1x128xf32>
    %mul3A = arith.mulf %div3A_5, %div3A_5 : vector<1x128xf32>
    %sub3A = arith.subf %div3A_11, %mul3A : vector<1x128xf32>
    %get3A_12 = arith.constant 0 : index
    %get3A_13 = arith.constant 0 : index
    %get3A_14 = vector.load %arg8[%get3A_12, %get3A_13] : memref<1x128xf32, #tpu.memory_space<vmem>>, vector<1x128xf32>
    %add3A = arith.constant 9.99999974E-6 : f32
    %add3A_15 = vector.broadcast %add3A : f32 to vector<1x128xf32>
    %add3A_16 = arith.addf %sub3A, %add3A_15 : vector<1x128xf32>
    %rsqrt3A = math.rsqrt %add3A_16 : vector<1x128xf32>
    %mul3A_17 = arith.constant 5.000000e-01 : f32
    %mul3A_18 = vector.broadcast %mul3A_17 : f32 to vector<1x128xf32>
    %mul3A_19 = arith.mulf %mul3A_18, %add3A_16 : vector<1x128xf32>
    %mul3A_20 = arith.mulf %mul3A_19, %rsqrt3A : vector<1x128xf32>
    %mul3A_21 = arith.mulf %mul3A_20, %rsqrt3A : vector<1x128xf32>
    %sub3A_22 = arith.constant 1.500000e+00 : f32
    %sub3A_23 = vector.broadcast %sub3A_22 : f32 to vector<1x128xf32>
    %sub3A_24 = arith.subf %sub3A_23, %mul3A_21 : vector<1x128xf32>
    %mul3A_25 = arith.mulf %rsqrt3A, %sub3A_24 : vector<1x128xf32>
    %mul3A_26 = arith.mulf %get3A_14, %mul3A_25 : vector<1x128xf32>
    %get3A_27 = arith.constant 0 : index
    %get3A_28 = arith.constant 0 : index
    %get3A_29 = vector.load %arg9[%get3A_27, %get3A_28] : memref<1x128xf32, #tpu.memory_space<vmem>>, vector<1x128xf32>
    %mul3A_30 = arith.mulf %div3A_5, %mul3A_26 : vector<1x128xf32>
    %sub3A_31 = arith.subf %get3A_29, %mul3A_30 : vector<1x128xf32>
    %get3A_32 = arith.constant 0 : index
    %get3A_33 = arith.constant 0 : index
    %get3A_34 = vector.load %arg3[%get3A_32, %get3A_33] : memref<400x64xf32, #tpu.memory_space<vmem>>, vector<400x64xf32>
    %get3A_35 = arith.constant 0 : index
    %get3A_36 = arith.constant 0 : index
    %get3A_37 = vector.load %arg5[%get3A_35, %get3A_36] : memref<64x128xf32, #tpu.memory_space<vmem>>, vector<64x128xf32>
    %convert_element_type3A_38 = arith.truncf %get3A_34 : vector<400x64xf32> to vector<400x64xbf16>
    %convert_element_type3A_39 = arith.truncf %get3A_37 : vector<64x128xf32> to vector<64x128xbf16>
    %dot_general3A = arith.constant dense<0.000000e+00> : vector<400x128xf32>
    %dot_general3A_40 = tpu.matmul %convert_element_type3A_38, %convert_element_type3A_39, %dot_general3A {dimension_numbers = #tpu.dot_dimension_numbers<[1], [0], [0], [1], [0, 0, 1, 1], [], []>, transpose_lhs_hint = false} : vector<400x64xbf16>, vector<64x128xbf16>, vector<400x128xf32> -> vector<400x128xf32>
    %get3A_41 = arith.constant 0 : index
    %get3A_42 = arith.constant 0 : index
    %get3A_43 = vector.load %arg6[%get3A_41, %get3A_42] : memref<1x128xf32, #tpu.memory_space<vmem>>, vector<1x128xf32>
    %add3A_44 = vector.broadcast %get3A_43 : vector<1x128xf32> to vector<400x128xf32>
    %add3A_45 = arith.addf %dot_general3A_40, %add3A_44 : vector<400x128xf32>
    %get3A_46 = arith.constant 0 : index
    %get3A_47 = arith.constant 0 : index
    %get3A_48 = vector.load %arg2[%get3A_46, %get3A_47] : memref<6400x16xf32, #tpu.memory_space<vmem>>, vector<6400x16xf32>
    %get3A_49 = arith.constant 0 : index
    %get3A_50 = arith.constant 0 : index
    %get3A_51 = vector.load %arg4[%get3A_49, %get3A_50] : memref<16x128xf32, #tpu.memory_space<vmem>>, vector<16x128xf32>
    %convert_element_type3A_52 = arith.truncf %get3A_48 : vector<6400x16xf32> to vector<6400x16xbf16>
    %convert_element_type3A_53 = arith.truncf %get3A_51 : vector<16x128xf32> to vector<16x128xbf16>
    %dot_general3A_54 = arith.constant dense<0.000000e+00> : vector<6400x128xf32>
    %dot_general3A_55 = tpu.matmul %convert_element_type3A_52, %convert_element_type3A_53, %dot_general3A_54 {dimension_numbers = #tpu.dot_dimension_numbers<[1], [0], [0], [1], [0, 0, 1, 1], [], []>, transpose_lhs_hint = false} : vector<6400x16xbf16>, vector<16x128xbf16>, vector<6400x128xf32> -> vector<6400x128xf32>
    %get3A_56 = arith.constant 0 : index
    %get3A_57 = arith.constant 0 : index
    %get3A_58 = vector.load %arg1[%get3A_56, %get3A_57] : memref<6400x128xf32, #tpu.memory_space<vmem>>, vector<6400x128xf32>
    %add3A_59 = arith.addf %get3A_58, %dot_general3A_55 : vector<6400x128xf32>
    %reshape3A = vector.shape_cast %add3A_59 : vector<6400x128xf32> to vector<400x16x128xf32>
    %broadcast_in_dim3A = vector.shape_cast %add3A_45 : vector<400x128xf32> to vector<400x1x128xf32>
    %add3A_60 = vector.broadcast %broadcast_in_dim3A : vector<400x1x128xf32> to vector<400x16x128xf32>
    %add3A_61 = arith.addf %reshape3A, %add3A_60 : vector<400x16x128xf32>
    %reshape3A_62 = vector.shape_cast %add3A_61 : vector<400x16x128xf32> to vector<6400x128xf32>
    %mul3A_63 = vector.broadcast %mul3A_26 : vector<1x128xf32> to vector<6400x128xf32>
    %mul3A_64 = arith.mulf %reshape3A_62, %mul3A_63 : vector<6400x128xf32>
    %add3A_65 = vector.broadcast %sub3A_31 : vector<1x128xf32> to vector<6400x128xf32>
    %add3A_66 = arith.addf %mul3A_64, %add3A_65 : vector<6400x128xf32>
    %abs3A = math.absf %add3A_66 : vector<6400x128xf32>
    %neg3A = arith.constant 0.000000e+00 : f32
    %neg3A_67 = vector.broadcast %neg3A : f32 to vector<6400x128xf32>
    %neg3A_68 = arith.subf %neg3A_67, %abs3A : vector<6400x128xf32>
    %exp3A = math.exp %neg3A_68 : vector<6400x128xf32>
    %ge3A = arith.constant 0.000000e+00 : f32
    %ge3A_69 = vector.broadcast %ge3A : f32 to vector<6400x128xf32>
    %ge3A_70 = arith.cmpf oge, %add3A_66, %ge3A_69 : vector<6400x128xf32>
    %jit3A = arith.constant 1.000000e+00 : f32
    %broadcast_in_dim3A_71 = vector.broadcast %jit3A : f32 to vector<6400x128xf32>
    %select_n3A = arith.select %ge3A_70, %broadcast_in_dim3A_71, %exp3A : vector<6400x128xi1>, vector<6400x128xf32>
    %add3A_72 = arith.constant 1.000000e+00 : f32
    %add3A_73 = vector.broadcast %add3A_72 : f32 to vector<6400x128xf32>
    %add3A_74 = arith.addf %add3A_73, %exp3A : vector<6400x128xf32>
    %div3A_75 = arith.constant 1.000000e+00 : f32
    %div3A_76 = vector.broadcast %div3A_75 : f32 to vector<6400x128xf32>
    %div3A_77 = arith.divf %div3A_76, %add3A_74 : vector<6400x128xf32>
    %mul3A_78 = arith.mulf %add3A_74, %div3A_77 : vector<6400x128xf32>
    %sub3A_79 = arith.constant 2.000000e+00 : f32
    %sub3A_80 = vector.broadcast %sub3A_79 : f32 to vector<6400x128xf32>
    %sub3A_81 = arith.subf %sub3A_80, %mul3A_78 : vector<6400x128xf32>
    %mul3A_82 = arith.mulf %div3A_77, %sub3A_81 : vector<6400x128xf32>
    %mul3A_83 = arith.mulf %select_n3A, %mul3A_82 : vector<6400x128xf32>
    %roll3A = arith.constant 64 : i32
    %roll3A_84 = tpu.dynamic_rotate %add3A_66 by %roll3A dim 1 : vector<6400x128xf32>, i32 -> vector<6400x128xf32>
    %max3A = arith.constant 0.000000e+00 : f32
    %max3A_85 = vector.broadcast %max3A : f32 to vector<6400x128xf32>
    %max3A_86 = arith.maximumf %roll3A_84, %max3A_85 : vector<6400x128xf32>
    %roll3A_87 = arith.constant 64 : i32
    %roll3A_88 = tpu.dynamic_rotate %exp3A by %roll3A_87 dim 1 : vector<6400x128xf32>, i32 -> vector<6400x128xf32>
    %add3A_89 = arith.constant 1.000000e+00 : f32
    %add3A_90 = vector.broadcast %add3A_89 : f32 to vector<6400x128xf32>
    %add3A_91 = arith.addf %add3A_90, %roll3A_88 : vector<6400x128xf32>
    %log3A = math.log %add3A_91 : vector<6400x128xf32>
    %add3A_92 = arith.addf %max3A_86, %log3A : vector<6400x128xf32>
    %mul3A_93 = arith.mulf %mul3A_83, %add3A_92 : vector<6400x128xf32>
    %reshape3A_94 = vector.shape_cast %mul3A_93 : vector<6400x128xf32> to vector<400x16x128xf32>
    %reduce_sum3A = arith.constant dense<0.000000e+00> : vector<400x128xf32>
    %reduce_sum3A_95 = vector.multi_reduction <add>, %reshape3A_94, %reduce_sum3A [1] : vector<400x16x128xf32> to vector<400x128xf32>
    %slice3A = vector.extract_strided_slice %reduce_sum3A_95 {offsets = [0, 0], sizes = [400, 64], strides = [1, 1]} : vector<400x128xf32> to vector<400x64xf32>
    %swap3A = arith.constant 0 : index
    %swap3A_96 = arith.constant 0 : index
    %swap3A_97 = vector.load %arg10[%swap3A, %swap3A_96] : memref<400x64xf32, #tpu.memory_space<vmem>>, vector<400x64xf32>
    tpu.vector_store %arg10[%swap3A, %swap3A_96], %slice3A {strides = array<i32>} : memref<400x64xf32, #tpu.memory_space<vmem>>, vector<400x64xf32>,
    %get3A_98 = arith.constant 0 : index
    %get3A_99 = arith.constant 0 : index
    %get3A_100 = vector.load %arg12[%get3A_98, %get3A_99] : memref<8x128xf32, #tpu.memory_space<vmem>>, vector<8x128xf32>
    %reshape3A_101 = vector.shape_cast %reduce_sum3A_95 : vector<400x128xf32> to vector<50x8x128xf32>
    %reduce_sum3A_102 = arith.constant dense<0.000000e+00> : vector<8x128xf32>
    %reduce_sum3A_103 = vector.multi_reduction <add>, %reshape3A_101, %reduce_sum3A_102 [0] : vector<50x8x128xf32> to vector<8x128xf32>
    %add3A_104 = arith.addf %get3A_100, %reduce_sum3A_103 : vector<8x128xf32>
    %swap3A_105 = arith.constant 0 : index
    %swap3A_106 = arith.constant 0 : index
    %swap3A_107 = vector.load %arg12[%swap3A_105, %swap3A_106] : memref<8x128xf32, #tpu.memory_space<vmem>>, vector<8x128xf32>
    tpu.vector_store %arg12[%swap3A_105, %swap3A_106], %add3A_104 {strides = array<i32>} : memref<8x128xf32, #tpu.memory_space<vmem>>, vector<8x128xf32>,
    %get3A_108 = arith.constant 0 : index
    %get3A_109 = arith.constant 0 : index
    %get3A_110 = vector.load %arg13[%get3A_108, %get3A_109] : memref<8x128xf32, #tpu.memory_space<vmem>>, vector<8x128xf32>
    %mul3A_111 = arith.mulf %reduce_sum3A_95, %reduce_sum3A_95 : vector<400x128xf32>
    %reshape3A_112 = vector.shape_cast %mul3A_111 : vector<400x128xf32> to vector<50x8x128xf32>
    %reduce_sum3A_113 = arith.constant dense<0.000000e+00> : vector<8x128xf32>
    %reduce_sum3A_114 = vector.multi_reduction <add>, %reshape3A_112, %reduce_sum3A_113 [0] : vector<50x8x128xf32> to vector<8x128xf32>
    %add3A_115 = arith.addf %get3A_110, %reduce_sum3A_114 : vector<8x128xf32>
    %swap3A_116 = arith.constant 0 : index
    %swap3A_117 = arith.constant 0 : index
    %swap3A_118 = vector.load %arg13[%swap3A_116, %swap3A_117] : memref<8x128xf32, #tpu.memory_space<vmem>>, vector<8x128xf32>
    tpu.vector_store %arg13[%swap3A_116, %swap3A_117], %add3A_115 {strides = array<i32>} : memref<8x128xf32, #tpu.memory_space<vmem>>, vector<8x128xf32>,
    %eq3A_119 = arith.constant 124 : i32
    %eq3A_120 = arith.cmpi eq, %arg0, %eq3A_119 : i32
    %convert_element_type3A_121 = arith.extui %eq3A_120 : i1 to i32
    %cond3A_122 = arith.constant 0 : i32
    %cond3A_123 = arith.cmpi ne, %convert_element_type3A_121, %cond3A_122 : i32
    scf.if %cond3A_123 {
      %get3A_124 = arith.constant 0 : index
      %get3A_125 = arith.constant 0 : index
      %get3A_126 = vector.load %arg12[%get3A_124, %get3A_125] : memref<8x128xf32, #tpu.memory_space<vmem>>, vector<8x128xf32>
      %reduce_sum3A_127 = arith.constant dense<0.000000e+00> : vector<128xf32>
      %reduce_sum3A_128 = vector.multi_reduction <add>, %get3A_126, %reduce_sum3A_127 [0] : vector<8x128xf32> to vector<128xf32>
      %broadcast_in_dim3A_129 = vector.shape_cast %reduce_sum3A_128 : vector<128xf32> to vector<1x128xf32>
      %slice3A_130 = vector.extract_strided_slice %broadcast_in_dim3A_129 {offsets = [0, 0], sizes = [1, 64], strides = [1, 1]} : vector<1x128xf32> to vector<1x64xf32>
      %swap3A_131 = arith.constant 0 : index
      %swap3A_132 = arith.constant 0 : index
      %swap3A_133 = vector.load %arg11[%swap3A_131, %swap3A_132] : memref<2x64xf32, #tpu.memory_space<vmem>>, vector<1x64xf32>
      tpu.vector_store %arg11[%swap3A_131, %swap3A_132], %slice3A_130 {strides = array<i32>} : memref<2x64xf32, #tpu.memory_space<vmem>>, vector<1x64xf32>,
      %get3A_134 = arith.constant 0 : index
      %get3A_135 = arith.constant 0 : index
      %get3A_136 = vector.load %arg13[%get3A_134, %get3A_135] : memref<8x128xf32, #tpu.memory_space<vmem>>, vector<8x128xf32>
      %reduce_sum3A_137 = arith.constant dense<0.000000e+00> : vector<128xf32>
      %reduce_sum3A_138 = vector.multi_reduction <add>, %get3A_136, %reduce_sum3A_137 [0] : vector<8x128xf32> to vector<128xf32>
      %broadcast_in_dim3A_139 = vector.shape_cast %reduce_sum3A_138 : vector<128xf32> to vector<1x128xf32>
      %slice3A_140 = vector.extract_strided_slice %broadcast_in_dim3A_139 {offsets = [0, 0], sizes = [1, 64], strides = [1, 1]} : vector<1x128xf32> to vector<1x64xf32>
      %swap3A_141 = arith.constant 1 : index
      %swap3A_142 = arith.constant 0 : index
      %swap3A_143 = vector.load %arg11[%swap3A_141, %swap3A_142] : memref<2x64xf32, #tpu.memory_space<vmem>>, vector<1x64xf32>
      tpu.vector_store %arg11[%swap3A_141, %swap3A_142], %slice3A_140 {strides = array<i32>} : memref<2x64xf32, #tpu.memory_space<vmem>>, vector<1x64xf32>,
    } else {
    }
    return
  }
  func.func @transform_0(%arg0: i32) -> (i32, i32) {
    %c0_i32 = arith.constant 0 : i32
    %c0_i32_0 = arith.constant 0 : i32
    return %arg0, %c0_i32 : i32, i32
  }
  func.func @transform_1(%arg0: i32) -> (i32, i32) {
    %c0_i32 = arith.constant 0 : i32
    %c0_i32_0 = arith.constant 0 : i32
    return %arg0, %c0_i32 : i32, i32
  }
  func.func @transform_2(%arg0: i32) -> (i32, i32) {
    %c0_i32 = arith.constant 0 : i32
    %c0_i32_0 = arith.constant 0 : i32
    return %arg0, %c0_i32 : i32, i32
  }
  func.func @transform_3(%arg0: i32) -> (i32, i32) {
    %c0_i32 = arith.constant 0 : i32
    %c0_i32_0 = arith.constant 0 : i32
    %c0_i32_1 = arith.constant 0 : i32
    return %c0_i32, %c0_i32_0 : i32, i32
  }
  func.func @transform_4(%arg0: i32) -> (i32, i32) {
    %c0_i32 = arith.constant 0 : i32
    %c0_i32_0 = arith.constant 0 : i32
    %c0_i32_1 = arith.constant 0 : i32
    return %c0_i32, %c0_i32_0 : i32, i32
  }
  func.func @transform_5(%arg0: i32) -> (i32, i32) {
    %c0_i32 = arith.constant 0 : i32
    %c0_i32_0 = arith.constant 0 : i32
    %c0_i32_1 = arith.constant 0 : i32
    return %c0_i32, %c0_i32_0 : i32, i32
  }
  func.func @transform_6(%arg0: i32) -> (i32, i32) {
    %c0_i32 = arith.constant 0 : i32
    %c0_i32_0 = arith.constant 0 : i32
    %c0_i32_1 = arith.constant 0 : i32
    return %c0_i32, %c0_i32_0 : i32, i32
  }
  func.func @transform_7(%arg0: i32) -> (i32, i32) {
    %c0_i32 = arith.constant 0 : i32
    %c0_i32_0 = arith.constant 0 : i32
    %c0_i32_1 = arith.constant 0 : i32
    return %c0_i32, %c0_i32_0 : i32, i32
  }
  func.func @transform_8(%arg0: i32) -> (i32, i32) {
    %c0_i32 = arith.constant 0 : i32
    %c0_i32_0 = arith.constant 0 : i32
    %c0_i32_1 = arith.constant 0 : i32
    return %c0_i32, %c0_i32_0 : i32, i32
  }
  func.func @transform_9(%arg0: i32) -> (i32, i32) {
    %c0_i32 = arith.constant 0 : i32
    %c0_i32_0 = arith.constant 0 : i32
    return %arg0, %c0_i32 : i32, i32
  }
  func.func @transform_10(%arg0: i32) -> (i32, i32) {
    %c0_i32 = arith.constant 0 : i32
    %c0_i32_0 = arith.constant 0 : i32
    %c0_i32_1 = arith.constant 0 : i32
    return %c0_i32, %c0_i32_0 : i32, i32
  }
}

module attributes {stable_mosaic.version = 14 : i64} {
  func.func @_stats_body(%arg0: i32, %arg1: memref<6400x128xf32, #tpu.memory_space<vmem>>, %arg2: memref<6400x16xf32, #tpu.memory_space<vmem>>, %arg3: memref<400x64xf32, #tpu.memory_space<vmem>>, %arg4: memref<16x128xf32, #tpu.memory_space<vmem>>, %arg5: memref<64x128xf32, #tpu.memory_space<vmem>>, %arg6: memref<1x128xf32, #tpu.memory_space<vmem>>, %arg7: memref<2x128xf32, #tpu.memory_space<vmem>>, %arg8: memref<8x128xf32, #tpu.memory_space<vmem>>, %arg9: memref<8x128xf32, #tpu.memory_space<vmem>>, %arg10: memref<8x128xf32, #tpu.memory_space<vmem>>, %arg11: memref<8x128xf32, #tpu.memory_space<vmem>>, %arg12: memref<8x128xf32, #tpu.memory_space<vmem>>) attributes {dimension_semantics = [#tpu.dimension_semantics<arbitrary>], iteration_bounds = array<i64: 125>, scalar_prefetch = 0 : i64, scratch_operands = 5 : i64, tpu.core_type = #tpu.core_type<tc>, window_params = [{transform_indices = @transform_0, window_bounds = array<i64: 6400, 128>}, {transform_indices = @transform_1, window_bounds = array<i64: 6400, 16>}, {transform_indices = @transform_2, window_bounds = array<i64: 400, 64>}, {pipeline_mode = #tpu.pipeline_mode<synchronous>, transform_indices = @transform_3, window_bounds = array<i64: 16, 128>}, {pipeline_mode = #tpu.pipeline_mode<synchronous>, transform_indices = @transform_4, window_bounds = array<i64: 64, 128>}, {pipeline_mode = #tpu.pipeline_mode<synchronous>, transform_indices = @transform_5, window_bounds = array<i64: 1, 128>}, {pipeline_mode = #tpu.pipeline_mode<synchronous>, transform_indices = @transform_6, window_bounds = array<i64: 2, 128>}]} {
    %eq3A = arith.constant 0 : i32
    %eq3A_0 = arith.cmpi eq, %arg0, %eq3A : i32
    %convert_element_type3A = arith.extui %eq3A_0 : i1 to i32
    %cond3A = arith.constant 0 : i32
    %cond3A_1 = arith.cmpi ne, %convert_element_type3A, %cond3A : i32
    scf.if %cond3A_1 {
      %broadcast_in_dim3A = arith.constant 0.000000e+00 : f32
      %broadcast_in_dim3A_85 = vector.broadcast %broadcast_in_dim3A : f32 to vector<8x128xf32>
      %swap3A_86 = arith.constant 0 : index
      %swap3A_87 = arith.constant 0 : index
      %swap3A_88 = vector.load %arg8[%swap3A_86, %swap3A_87] : memref<8x128xf32, #tpu.memory_space<vmem>>, vector<8x128xf32>
      tpu.vector_store %arg8[%swap3A_86, %swap3A_87], %broadcast_in_dim3A_85 {strides = array<i32>} : memref<8x128xf32, #tpu.memory_space<vmem>>, vector<8x128xf32>,
      %broadcast_in_dim3A_89 = arith.constant 0.000000e+00 : f32
      %broadcast_in_dim3A_90 = vector.broadcast %broadcast_in_dim3A_89 : f32 to vector<8x128xf32>
      %swap3A_91 = arith.constant 0 : index
      %swap3A_92 = arith.constant 0 : index
      %swap3A_93 = vector.load %arg9[%swap3A_91, %swap3A_92] : memref<8x128xf32, #tpu.memory_space<vmem>>, vector<8x128xf32>
      tpu.vector_store %arg9[%swap3A_91, %swap3A_92], %broadcast_in_dim3A_90 {strides = array<i32>} : memref<8x128xf32, #tpu.memory_space<vmem>>, vector<8x128xf32>,
      %broadcast_in_dim3A_94 = arith.constant 0.000000e+00 : f32
      %broadcast_in_dim3A_95 = vector.broadcast %broadcast_in_dim3A_94 : f32 to vector<8x128xf32>
      %swap3A_96 = arith.constant 0 : index
      %swap3A_97 = arith.constant 0 : index
      %swap3A_98 = vector.load %arg10[%swap3A_96, %swap3A_97] : memref<8x128xf32, #tpu.memory_space<vmem>>, vector<8x128xf32>
      tpu.vector_store %arg10[%swap3A_96, %swap3A_97], %broadcast_in_dim3A_95 {strides = array<i32>} : memref<8x128xf32, #tpu.memory_space<vmem>>, vector<8x128xf32>,
      %broadcast_in_dim3A_99 = arith.constant 0.000000e+00 : f32
      %broadcast_in_dim3A_100 = vector.broadcast %broadcast_in_dim3A_99 : f32 to vector<8x128xf32>
      %swap3A_101 = arith.constant 0 : index
      %swap3A_102 = arith.constant 0 : index
      %swap3A_103 = vector.load %arg11[%swap3A_101, %swap3A_102] : memref<8x128xf32, #tpu.memory_space<vmem>>, vector<8x128xf32>
      tpu.vector_store %arg11[%swap3A_101, %swap3A_102], %broadcast_in_dim3A_100 {strides = array<i32>} : memref<8x128xf32, #tpu.memory_space<vmem>>, vector<8x128xf32>,
      %broadcast_in_dim3A_104 = arith.constant 0.000000e+00 : f32
      %broadcast_in_dim3A_105 = vector.broadcast %broadcast_in_dim3A_104 : f32 to vector<8x128xf32>
      %swap3A_106 = arith.constant 0 : index
      %swap3A_107 = arith.constant 0 : index
      %swap3A_108 = vector.load %arg12[%swap3A_106, %swap3A_107] : memref<8x128xf32, #tpu.memory_space<vmem>>, vector<8x128xf32>
      tpu.vector_store %arg12[%swap3A_106, %swap3A_107], %broadcast_in_dim3A_105 {strides = array<i32>} : memref<8x128xf32, #tpu.memory_space<vmem>>, vector<8x128xf32>,
    } else {
    }
    %get3A = arith.constant 0 : index
    %get3A_2 = arith.constant 0 : index
    %get3A_3 = vector.load %arg1[%get3A, %get3A_2] : memref<6400x128xf32, #tpu.memory_space<vmem>>, vector<6400x128xf32>
    %get3A_4 = arith.constant 0 : index
    %get3A_5 = arith.constant 0 : index
    %get3A_6 = vector.load %arg2[%get3A_4, %get3A_5] : memref<6400x16xf32, #tpu.memory_space<vmem>>, vector<6400x16xf32>
    %get3A_7 = arith.constant 0 : index
    %get3A_8 = arith.constant 0 : index
    %get3A_9 = vector.load %arg4[%get3A_7, %get3A_8] : memref<16x128xf32, #tpu.memory_space<vmem>>, vector<16x128xf32>
    %convert_element_type3A_10 = arith.truncf %get3A_6 : vector<6400x16xf32> to vector<6400x16xbf16>
    %convert_element_type3A_11 = arith.truncf %get3A_9 : vector<16x128xf32> to vector<16x128xbf16>
    %dot_general3A = arith.constant dense<0.000000e+00> : vector<6400x128xf32>
    %dot_general3A_12 = tpu.matmul %convert_element_type3A_10, %convert_element_type3A_11, %dot_general3A {dimension_numbers = #tpu.dot_dimension_numbers<[1], [0], [0], [1], [0, 0, 1, 1], [], []>, transpose_lhs_hint = false} : vector<6400x16xbf16>, vector<16x128xbf16>, vector<6400x128xf32> -> vector<6400x128xf32>
    %add3A = arith.addf %get3A_3, %dot_general3A_12 : vector<6400x128xf32>
    %get3A_13 = arith.constant 0 : index
    %get3A_14 = arith.constant 0 : index
    %get3A_15 = vector.load %arg3[%get3A_13, %get3A_14] : memref<400x64xf32, #tpu.memory_space<vmem>>, vector<400x64xf32>
    %get3A_16 = arith.constant 0 : index
    %get3A_17 = arith.constant 0 : index
    %get3A_18 = vector.load %arg5[%get3A_16, %get3A_17] : memref<64x128xf32, #tpu.memory_space<vmem>>, vector<64x128xf32>
    %convert_element_type3A_19 = arith.truncf %get3A_15 : vector<400x64xf32> to vector<400x64xbf16>
    %convert_element_type3A_20 = arith.truncf %get3A_18 : vector<64x128xf32> to vector<64x128xbf16>
    %dot_general3A_21 = arith.constant dense<0.000000e+00> : vector<400x128xf32>
    %dot_general3A_22 = tpu.matmul %convert_element_type3A_19, %convert_element_type3A_20, %dot_general3A_21 {dimension_numbers = #tpu.dot_dimension_numbers<[1], [0], [0], [1], [0, 0, 1, 1], [], []>, transpose_lhs_hint = false} : vector<400x64xbf16>, vector<64x128xbf16>, vector<400x128xf32> -> vector<400x128xf32>
    %get3A_23 = arith.constant 0 : index
    %get3A_24 = arith.constant 0 : index
    %get3A_25 = vector.load %arg6[%get3A_23, %get3A_24] : memref<1x128xf32, #tpu.memory_space<vmem>>, vector<1x128xf32>
    %add3A_26 = vector.broadcast %get3A_25 : vector<1x128xf32> to vector<400x128xf32>
    %add3A_27 = arith.addf %dot_general3A_22, %add3A_26 : vector<400x128xf32>
    %get3A_28 = arith.constant 0 : index
    %get3A_29 = arith.constant 0 : index
    %get3A_30 = vector.load %arg8[%get3A_28, %get3A_29] : memref<8x128xf32, #tpu.memory_space<vmem>>, vector<8x128xf32>
    %reshape3A = vector.shape_cast %add3A : vector<6400x128xf32> to vector<800x8x128xf32>
    %reduce_sum3A = arith.constant dense<0.000000e+00> : vector<8x128xf32>
    %reduce_sum3A_31 = vector.multi_reduction <add>, %reshape3A, %reduce_sum3A [0] : vector<800x8x128xf32> to vector<8x128xf32>
    %add3A_32 = arith.addf %get3A_30, %reduce_sum3A_31 : vector<8x128xf32>
    %swap3A = arith.constant 0 : index
    %swap3A_33 = arith.constant 0 : index
    %swap3A_34 = vector.load %arg8[%swap3A, %swap3A_33] : memref<8x128xf32, #tpu.memory_space<vmem>>, vector<8x128xf32>
    tpu.vector_store %arg8[%swap3A, %swap3A_33], %add3A_32 {strides = array<i32>} : memref<8x128xf32, #tpu.memory_space<vmem>>, vector<8x128xf32>,
    %get3A_35 = arith.constant 0 : index
    %get3A_36 = arith.constant 0 : index
    %get3A_37 = vector.load %arg9[%get3A_35, %get3A_36] : memref<8x128xf32, #tpu.memory_space<vmem>>, vector<8x128xf32>
    %mul3A = arith.mulf %add3A, %add3A : vector<6400x128xf32>
    %reshape3A_38 = vector.shape_cast %mul3A : vector<6400x128xf32> to vector<800x8x128xf32>
    %reduce_sum3A_39 = arith.constant dense<0.000000e+00> : vector<8x128xf32>
    %reduce_sum3A_40 = vector.multi_reduction <add>, %reshape3A_38, %reduce_sum3A_39 [0] : vector<800x8x128xf32> to vector<8x128xf32>
    %add3A_41 = arith.addf %get3A_37, %reduce_sum3A_40 : vector<8x128xf32>
    %swap3A_42 = arith.constant 0 : index
    %swap3A_43 = arith.constant 0 : index
    %swap3A_44 = vector.load %arg9[%swap3A_42, %swap3A_43] : memref<8x128xf32, #tpu.memory_space<vmem>>, vector<8x128xf32>
    tpu.vector_store %arg9[%swap3A_42, %swap3A_43], %add3A_41 {strides = array<i32>} : memref<8x128xf32, #tpu.memory_space<vmem>>, vector<8x128xf32>,
    %reshape3A_45 = vector.shape_cast %add3A : vector<6400x128xf32> to vector<400x16x128xf32>
    %reduce_sum3A_46 = arith.constant dense<0.000000e+00> : vector<400x128xf32>
    %reduce_sum3A_47 = vector.multi_reduction <add>, %reshape3A_45, %reduce_sum3A_46 [1] : vector<400x16x128xf32> to vector<400x128xf32>
    %get3A_48 = arith.constant 0 : index
    %get3A_49 = arith.constant 0 : index
    %get3A_50 = vector.load %arg10[%get3A_48, %get3A_49] : memref<8x128xf32, #tpu.memory_space<vmem>>, vector<8x128xf32>
    %mul3A_51 = arith.mulf %add3A_27, %reduce_sum3A_47 : vector<400x128xf32>
    %reshape3A_52 = vector.shape_cast %mul3A_51 : vector<400x128xf32> to vector<50x8x128xf32>
    %reduce_sum3A_53 = arith.constant dense<0.000000e+00> : vector<8x128xf32>
    %reduce_sum3A_54 = vector.multi_reduction <add>, %reshape3A_52, %reduce_sum3A_53 [0] : vector<50x8x128xf32> to vector<8x128xf32>
    %add3A_55 = arith.addf %get3A_50, %reduce_sum3A_54 : vector<8x128xf32>
    %swap3A_56 = arith.constant 0 : index
    %swap3A_57 = arith.constant 0 : index
    %swap3A_58 = vector.load %arg10[%swap3A_56, %swap3A_57] : memref<8x128xf32, #tpu.memory_space<vmem>>, vector<8x128xf32>
    tpu.vector_store %arg10[%swap3A_56, %swap3A_57], %add3A_55 {strides = array<i32>} : memref<8x128xf32, #tpu.memory_space<vmem>>, vector<8x128xf32>,
    %get3A_59 = arith.constant 0 : index
    %get3A_60 = arith.constant 0 : index
    %get3A_61 = vector.load %arg11[%get3A_59, %get3A_60] : memref<8x128xf32, #tpu.memory_space<vmem>>, vector<8x128xf32>
    %reshape3A_62 = vector.shape_cast %add3A_27 : vector<400x128xf32> to vector<50x8x128xf32>
    %reduce_sum3A_63 = arith.constant dense<0.000000e+00> : vector<8x128xf32>
    %reduce_sum3A_64 = vector.multi_reduction <add>, %reshape3A_62, %reduce_sum3A_63 [0] : vector<50x8x128xf32> to vector<8x128xf32>
    %add3A_65 = arith.addf %get3A_61, %reduce_sum3A_64 : vector<8x128xf32>
    %swap3A_66 = arith.constant 0 : index
    %swap3A_67 = arith.constant 0 : index
    %swap3A_68 = vector.load %arg11[%swap3A_66, %swap3A_67] : memref<8x128xf32, #tpu.memory_space<vmem>>, vector<8x128xf32>
    tpu.vector_store %arg11[%swap3A_66, %swap3A_67], %add3A_65 {strides = array<i32>} : memref<8x128xf32, #tpu.memory_space<vmem>>, vector<8x128xf32>,
    %get3A_69 = arith.constant 0 : index
    %get3A_70 = arith.constant 0 : index
    %get3A_71 = vector.load %arg12[%get3A_69, %get3A_70] : memref<8x128xf32, #tpu.memory_space<vmem>>, vector<8x128xf32>
    %mul3A_72 = arith.mulf %add3A_27, %add3A_27 : vector<400x128xf32>
    %reshape3A_73 = vector.shape_cast %mul3A_72 : vector<400x128xf32> to vector<50x8x128xf32>
    %reduce_sum3A_74 = arith.constant dense<0.000000e+00> : vector<8x128xf32>
    %reduce_sum3A_75 = vector.multi_reduction <add>, %reshape3A_73, %reduce_sum3A_74 [0] : vector<50x8x128xf32> to vector<8x128xf32>
    %add3A_76 = arith.addf %get3A_71, %reduce_sum3A_75 : vector<8x128xf32>
    %swap3A_77 = arith.constant 0 : index
    %swap3A_78 = arith.constant 0 : index
    %swap3A_79 = vector.load %arg12[%swap3A_77, %swap3A_78] : memref<8x128xf32, #tpu.memory_space<vmem>>, vector<8x128xf32>
    tpu.vector_store %arg12[%swap3A_77, %swap3A_78], %add3A_76 {strides = array<i32>} : memref<8x128xf32, #tpu.memory_space<vmem>>, vector<8x128xf32>,
    %eq3A_80 = arith.constant 124 : i32
    %eq3A_81 = arith.cmpi eq, %arg0, %eq3A_80 : i32
    %convert_element_type3A_82 = arith.extui %eq3A_81 : i1 to i32
    %cond3A_83 = arith.constant 0 : i32
    %cond3A_84 = arith.cmpi ne, %convert_element_type3A_82, %cond3A_83 : i32
    scf.if %cond3A_84 {
      %get3A_85 = arith.constant 0 : index
      %get3A_86 = arith.constant 0 : index
      %get3A_87 = vector.load %arg8[%get3A_85, %get3A_86] : memref<8x128xf32, #tpu.memory_space<vmem>>, vector<8x128xf32>
      %reduce_sum3A_88 = arith.constant dense<0.000000e+00> : vector<128xf32>
      %reduce_sum3A_89 = vector.multi_reduction <add>, %get3A_87, %reduce_sum3A_88 [0] : vector<8x128xf32> to vector<128xf32>
      %broadcast_in_dim3A = vector.shape_cast %reduce_sum3A_89 : vector<128xf32> to vector<1x128xf32>
      %get3A_90 = arith.constant 0 : index
      %get3A_91 = arith.constant 0 : index
      %get3A_92 = vector.load %arg11[%get3A_90, %get3A_91] : memref<8x128xf32, #tpu.memory_space<vmem>>, vector<8x128xf32>
      %reduce_sum3A_93 = arith.constant dense<0.000000e+00> : vector<128xf32>
      %reduce_sum3A_94 = vector.multi_reduction <add>, %get3A_92, %reduce_sum3A_93 [0] : vector<8x128xf32> to vector<128xf32>
      %broadcast_in_dim3A_95 = vector.shape_cast %reduce_sum3A_94 : vector<128xf32> to vector<1x128xf32>
      %mul3A_96 = arith.constant 1.600000e+01 : f32
      %mul3A_97 = vector.broadcast %mul3A_96 : f32 to vector<1x128xf32>
      %mul3A_98 = arith.mulf %mul3A_97, %broadcast_in_dim3A_95 : vector<1x128xf32>
      %add3A_99 = arith.addf %broadcast_in_dim3A, %mul3A_98 : vector<1x128xf32>
      %get3A_100 = arith.constant 0 : index
      %get3A_101 = arith.constant 0 : index
      %get3A_102 = vector.load %arg9[%get3A_100, %get3A_101] : memref<8x128xf32, #tpu.memory_space<vmem>>, vector<8x128xf32>
      %reduce_sum3A_103 = arith.constant dense<0.000000e+00> : vector<128xf32>
      %reduce_sum3A_104 = vector.multi_reduction <add>, %get3A_102, %reduce_sum3A_103 [0] : vector<8x128xf32> to vector<128xf32>
      %broadcast_in_dim3A_105 = vector.shape_cast %reduce_sum3A_104 : vector<128xf32> to vector<1x128xf32>
      %get3A_106 = arith.constant 0 : index
      %get3A_107 = arith.constant 0 : index
      %get3A_108 = vector.load %arg10[%get3A_106, %get3A_107] : memref<8x128xf32, #tpu.memory_space<vmem>>, vector<8x128xf32>
      %reduce_sum3A_109 = arith.constant dense<0.000000e+00> : vector<128xf32>
      %reduce_sum3A_110 = vector.multi_reduction <add>, %get3A_108, %reduce_sum3A_109 [0] : vector<8x128xf32> to vector<128xf32>
      %broadcast_in_dim3A_111 = vector.shape_cast %reduce_sum3A_110 : vector<128xf32> to vector<1x128xf32>
      %mul3A_112 = arith.constant 2.000000e+00 : f32
      %mul3A_113 = vector.broadcast %mul3A_112 : f32 to vector<1x128xf32>
      %mul3A_114 = arith.mulf %mul3A_113, %broadcast_in_dim3A_111 : vector<1x128xf32>
      %add3A_115 = arith.addf %broadcast_in_dim3A_105, %mul3A_114 : vector<1x128xf32>
      %get3A_116 = arith.constant 0 : index
      %get3A_117 = arith.constant 0 : index
      %get3A_118 = vector.load %arg12[%get3A_116, %get3A_117] : memref<8x128xf32, #tpu.memory_space<vmem>>, vector<8x128xf32>
      %reduce_sum3A_119 = arith.constant dense<0.000000e+00> : vector<128xf32>
      %reduce_sum3A_120 = vector.multi_reduction <add>, %get3A_118, %reduce_sum3A_119 [0] : vector<8x128xf32> to vector<128xf32>
      %broadcast_in_dim3A_121 = vector.shape_cast %reduce_sum3A_120 : vector<128xf32> to vector<1x128xf32>
      %mul3A_122 = arith.constant 1.600000e+01 : f32
      %mul3A_123 = vector.broadcast %mul3A_122 : f32 to vector<1x128xf32>
      %mul3A_124 = arith.mulf %mul3A_123, %broadcast_in_dim3A_121 : vector<1x128xf32>
      %add3A_125 = arith.addf %add3A_115, %mul3A_124 : vector<1x128xf32>
      %swap3A_126 = arith.constant 0 : index
      %swap3A_127 = arith.constant 0 : index
      %swap3A_128 = vector.load %arg7[%swap3A_126, %swap3A_127] : memref<2x128xf32, #tpu.memory_space<vmem>>, vector<1x128xf32>
      tpu.vector_store %arg7[%swap3A_126, %swap3A_127], %add3A_99 {strides = array<i32>} : memref<2x128xf32, #tpu.memory_space<vmem>>, vector<1x128xf32>,
      %swap3A_129 = arith.constant 1 : index
      %swap3A_130 = arith.constant 0 : index
      %swap3A_131 = vector.load %arg7[%swap3A_129, %swap3A_130] : memref<2x128xf32, #tpu.memory_space<vmem>>, vector<1x128xf32>
      tpu.vector_store %arg7[%swap3A_129, %swap3A_130], %add3A_125 {strides = array<i32>} : memref<2x128xf32, #tpu.memory_space<vmem>>, vector<1x128xf32>,
    } else {
    }
    return
  }
  func.func @transform_0(%arg0: i32) -> (i32, i32) {
    %c0_i32 = arith.constant 0 : i32
    %c0_i32_0 = arith.constant 0 : i32
    return %arg0, %c0_i32 : i32, i32
  }
  func.func @transform_1(%arg0: i32) -> (i32, i32) {
    %c0_i32 = arith.constant 0 : i32
    %c0_i32_0 = arith.constant 0 : i32
    return %arg0, %c0_i32 : i32, i32
  }
  func.func @transform_2(%arg0: i32) -> (i32, i32) {
    %c0_i32 = arith.constant 0 : i32
    %c0_i32_0 = arith.constant 0 : i32
    return %arg0, %c0_i32 : i32, i32
  }
  func.func @transform_3(%arg0: i32) -> (i32, i32) {
    %c0_i32 = arith.constant 0 : i32
    %c0_i32_0 = arith.constant 0 : i32
    %c0_i32_1 = arith.constant 0 : i32
    return %c0_i32, %c0_i32_0 : i32, i32
  }
  func.func @transform_4(%arg0: i32) -> (i32, i32) {
    %c0_i32 = arith.constant 0 : i32
    %c0_i32_0 = arith.constant 0 : i32
    %c0_i32_1 = arith.constant 0 : i32
    return %c0_i32, %c0_i32_0 : i32, i32
  }
  func.func @transform_5(%arg0: i32) -> (i32, i32) {
    %c0_i32 = arith.constant 0 : i32
    %c0_i32_0 = arith.constant 0 : i32
    %c0_i32_1 = arith.constant 0 : i32
    return %c0_i32, %c0_i32_0 : i32, i32
  }
  func.func @transform_6(%arg0: i32) -> (i32, i32) {
    %c0_i32 = arith.constant 0 : i32
    %c0_i32_0 = arith.constant 0 : i32
    %c0_i32_1 = arith.constant 0 : i32
    return %c0_i32, %c0_i32_0 : i32, i32
  }
}

module attributes {stable_mosaic.version = 14 : i64} {
  func.func @_update_body(%arg0: i32, %arg1: memref<5000x64xf32, #tpu.memory_space<vmem>>, %arg2: memref<5000x64xf32, #tpu.memory_space<vmem>>, %arg3: memref<2x64xf32, #tpu.memory_space<vmem>>, %arg4: memref<1x64xf32, #tpu.memory_space<vmem>>, %arg5: memref<1x64xf32, #tpu.memory_space<vmem>>, %arg6: memref<64x128xf32, #tpu.memory_space<vmem>>, %arg7: memref<5000x64xf32, #tpu.memory_space<vmem>>, %arg8: memref<5000x128xf32, #tpu.memory_space<vmem>>) attributes {dimension_semantics = [#tpu.dimension_semantics<arbitrary>], iteration_bounds = array<i64: 10>, scalar_prefetch = 0 : i64, scratch_operands = 0 : i64, tpu.core_type = #tpu.core_type<tc>, window_params = [{transform_indices = @transform_0, window_bounds = array<i64: 5000, 64>}, {transform_indices = @transform_1, window_bounds = array<i64: 5000, 64>}, {pipeline_mode = #tpu.pipeline_mode<synchronous>, transform_indices = @transform_2, window_bounds = array<i64: 2, 64>}, {pipeline_mode = #tpu.pipeline_mode<synchronous>, transform_indices = @transform_3, window_bounds = array<i64: 1, 64>}, {pipeline_mode = #tpu.pipeline_mode<synchronous>, transform_indices = @transform_4, window_bounds = array<i64: 1, 64>}, {pipeline_mode = #tpu.pipeline_mode<synchronous>, transform_indices = @transform_5, window_bounds = array<i64: 64, 128>}, {transform_indices = @transform_6, window_bounds = array<i64: 5000, 64>}, {transform_indices = @transform_7, window_bounds = array<i64: 5000, 128>}]} {
    %get3A = arith.constant 0 : index
    %get3A_0 = arith.constant 0 : index
    %get3A_1 = vector.load %arg3[%get3A, %get3A_0] : memref<2x64xf32, #tpu.memory_space<vmem>>, vector<1x64xf32>
    %div3A = arith.constant 5.000000e+04 : f32
    %div3A_2 = vector.broadcast %div3A : f32 to vector<1x64xf32>
    %div3A_3 = arith.divf %get3A_1, %div3A_2 : vector<1x64xf32>
    %get3A_4 = arith.constant 1 : index
    %get3A_5 = arith.constant 0 : index
    %get3A_6 = vector.load %arg3[%get3A_4, %get3A_5] : memref<2x64xf32, #tpu.memory_space<vmem>>, vector<1x64xf32>
    %div3A_7 = arith.constant 5.000000e+04 : f32
    %div3A_8 = vector.broadcast %div3A_7 : f32 to vector<1x64xf32>
    %div3A_9 = arith.divf %get3A_6, %div3A_8 : vector<1x64xf32>
    %mul3A = arith.mulf %div3A_3, %div3A_3 : vector<1x64xf32>
    %sub3A = arith.subf %div3A_9, %mul3A : vector<1x64xf32>
    %get3A_10 = arith.constant 0 : index
    %get3A_11 = arith.constant 0 : index
    %get3A_12 = vector.load %arg4[%get3A_10, %get3A_11] : memref<1x64xf32, #tpu.memory_space<vmem>>, vector<1x64xf32>
    %add3A = arith.constant 9.99999974E-6 : f32
    %add3A_13 = vector.broadcast %add3A : f32 to vector<1x64xf32>
    %add3A_14 = arith.addf %sub3A, %add3A_13 : vector<1x64xf32>
    %rsqrt3A = math.rsqrt %add3A_14 : vector<1x64xf32>
    %mul3A_15 = arith.constant 5.000000e-01 : f32
    %mul3A_16 = vector.broadcast %mul3A_15 : f32 to vector<1x64xf32>
    %mul3A_17 = arith.mulf %mul3A_16, %add3A_14 : vector<1x64xf32>
    %mul3A_18 = arith.mulf %mul3A_17, %rsqrt3A : vector<1x64xf32>
    %mul3A_19 = arith.mulf %mul3A_18, %rsqrt3A : vector<1x64xf32>
    %sub3A_20 = arith.constant 1.500000e+00 : f32
    %sub3A_21 = vector.broadcast %sub3A_20 : f32 to vector<1x64xf32>
    %sub3A_22 = arith.subf %sub3A_21, %mul3A_19 : vector<1x64xf32>
    %mul3A_23 = arith.mulf %rsqrt3A, %sub3A_22 : vector<1x64xf32>
    %mul3A_24 = arith.mulf %get3A_12, %mul3A_23 : vector<1x64xf32>
    %get3A_25 = arith.constant 0 : index
    %get3A_26 = arith.constant 0 : index
    %get3A_27 = vector.load %arg5[%get3A_25, %get3A_26] : memref<1x64xf32, #tpu.memory_space<vmem>>, vector<1x64xf32>
    %mul3A_28 = arith.mulf %div3A_3, %mul3A_24 : vector<1x64xf32>
    %sub3A_29 = arith.subf %get3A_27, %mul3A_28 : vector<1x64xf32>
    %get3A_30 = arith.constant 0 : index
    %get3A_31 = arith.constant 0 : index
    %get3A_32 = vector.load %arg1[%get3A_30, %get3A_31] : memref<5000x64xf32, #tpu.memory_space<vmem>>, vector<5000x64xf32>
    %get3A_33 = arith.constant 0 : index
    %get3A_34 = arith.constant 0 : index
    %get3A_35 = vector.load %arg2[%get3A_33, %get3A_34] : memref<5000x64xf32, #tpu.memory_space<vmem>>, vector<5000x64xf32>
    %mul3A_36 = vector.broadcast %mul3A_24 : vector<1x64xf32> to vector<5000x64xf32>
    %mul3A_37 = arith.mulf %get3A_35, %mul3A_36 : vector<5000x64xf32>
    %add3A_38 = arith.addf %get3A_32, %mul3A_37 : vector<5000x64xf32>
    %add3A_39 = vector.broadcast %sub3A_29 : vector<1x64xf32> to vector<5000x64xf32>
    %add3A_40 = arith.addf %add3A_38, %add3A_39 : vector<5000x64xf32>
    %max3A = arith.constant 0.000000e+00 : f32
    %max3A_41 = vector.broadcast %max3A : f32 to vector<5000x64xf32>
    %max3A_42 = arith.maximumf %add3A_40, %max3A_41 : vector<5000x64xf32>
    %abs3A = math.absf %add3A_40 : vector<5000x64xf32>
    %neg3A = arith.constant 0.000000e+00 : f32
    %neg3A_43 = vector.broadcast %neg3A : f32 to vector<5000x64xf32>
    %neg3A_44 = arith.subf %neg3A_43, %abs3A : vector<5000x64xf32>
    %exp3A = math.exp %neg3A_44 : vector<5000x64xf32>
    %log1p3A = math.log1p %exp3A : vector<5000x64xf32>
    %add3A_45 = arith.addf %max3A_42, %log1p3A : vector<5000x64xf32>
    %swap3A = arith.constant 0 : index
    %swap3A_46 = arith.constant 0 : index
    %swap3A_47 = vector.load %arg7[%swap3A, %swap3A_46] : memref<5000x64xf32, #tpu.memory_space<vmem>>, vector<5000x64xf32>
    tpu.vector_store %arg7[%swap3A, %swap3A_46], %add3A_45 {strides = array<i32>} : memref<5000x64xf32, #tpu.memory_space<vmem>>, vector<5000x64xf32>,
    %get3A_48 = arith.constant 0 : index
    %get3A_49 = arith.constant 0 : index
    %get3A_50 = vector.load %arg6[%get3A_48, %get3A_49] : memref<64x128xf32, #tpu.memory_space<vmem>>, vector<64x128xf32>
    %convert_element_type3A = arith.truncf %add3A_45 : vector<5000x64xf32> to vector<5000x64xbf16>
    %convert_element_type3A_51 = arith.truncf %get3A_50 : vector<64x128xf32> to vector<64x128xbf16>
    %dot_general3A = arith.constant dense<0.000000e+00> : vector<5000x128xf32>
    %dot_general3A_52 = tpu.matmul %convert_element_type3A, %convert_element_type3A_51, %dot_general3A {dimension_numbers = #tpu.dot_dimension_numbers<[1], [0], [0], [1], [0, 0, 1, 1], [], []>, transpose_lhs_hint = false} : vector<5000x64xbf16>, vector<64x128xbf16>, vector<5000x128xf32> -> vector<5000x128xf32>
    %swap3A_53 = arith.constant 0 : index
    %swap3A_54 = arith.constant 0 : index
    %swap3A_55 = vector.load %arg8[%swap3A_53, %swap3A_54] : memref<5000x128xf32, #tpu.memory_space<vmem>>, vector<5000x128xf32>
    tpu.vector_store %arg8[%swap3A_53, %swap3A_54], %dot_general3A_52 {strides = array<i32>} : memref<5000x128xf32, #tpu.memory_space<vmem>>, vector<5000x128xf32>,
    return
  }
  func.func @transform_0(%arg0: i32) -> (i32, i32) {
    %c0_i32 = arith.constant 0 : i32
    %c0_i32_0 = arith.constant 0 : i32
    return %arg0, %c0_i32 : i32, i32
  }
  func.func @transform_1(%arg0: i32) -> (i32, i32) {
    %c0_i32 = arith.constant 0 : i32
    %c0_i32_0 = arith.constant 0 : i32
    return %arg0, %c0_i32 : i32, i32
  }
  func.func @transform_2(%arg0: i32) -> (i32, i32) {
    %c0_i32 = arith.constant 0 : i32
    %c0_i32_0 = arith.constant 0 : i32
    %c0_i32_1 = arith.constant 0 : i32
    return %c0_i32, %c0_i32_0 : i32, i32
  }
  func.func @transform_3(%arg0: i32) -> (i32, i32) {
    %c0_i32 = arith.constant 0 : i32
    %c0_i32_0 = arith.constant 0 : i32
    %c0_i32_1 = arith.constant 0 : i32
    return %c0_i32, %c0_i32_0 : i32, i32
  }
  func.func @transform_4(%arg0: i32) -> (i32, i32) {
    %c0_i32 = arith.constant 0 : i32
    %c0_i32_0 = arith.constant 0 : i32
    %c0_i32_1 = arith.constant 0 : i32
    return %c0_i32, %c0_i32_0 : i32, i32
  }
  func.func @transform_5(%arg0: i32) -> (i32, i32) {
    %c0_i32 = arith.constant 0 : i32
    %c0_i32_0 = arith.constant 0 : i32
    %c0_i32_1 = arith.constant 0 : i32
    return %c0_i32, %c0_i32_0 : i32, i32
  }
  func.func @transform_6(%arg0: i32) -> (i32, i32) {
    %c0_i32 = arith.constant 0 : i32
    %c0_i32_0 = arith.constant 0 : i32
    return %arg0, %c0_i32 : i32, i32
  }
  func.func @transform_7(%arg0: i32) -> (i32, i32) {
    %c0_i32 = arith.constant 0 : i32
    %c0_i32_0 = arith.constant 0 : i32
    return %arg0, %c0_i32 : i32, i32
  }
}

module attributes {stable_mosaic.version = 14 : i64} {
  func.func @_update_last_body(%arg0: i32, %arg1: memref<5000x64xf32, #tpu.memory_space<vmem>>, %arg2: memref<5000x64xf32, #tpu.memory_space<vmem>>, %arg3: memref<2x64xf32, #tpu.memory_space<vmem>>, %arg4: memref<1x64xf32, #tpu.memory_space<vmem>>, %arg5: memref<1x64xf32, #tpu.memory_space<vmem>>, %arg6: memref<5000x64xf32, #tpu.memory_space<vmem>>) attributes {dimension_semantics = [#tpu.dimension_semantics<arbitrary>], iteration_bounds = array<i64: 10>, scalar_prefetch = 0 : i64, scratch_operands = 0 : i64, tpu.core_type = #tpu.core_type<tc>, window_params = [{transform_indices = @transform_0, window_bounds = array<i64: 5000, 64>}, {transform_indices = @transform_1, window_bounds = array<i64: 5000, 64>}, {pipeline_mode = #tpu.pipeline_mode<synchronous>, transform_indices = @transform_2, window_bounds = array<i64: 2, 64>}, {pipeline_mode = #tpu.pipeline_mode<synchronous>, transform_indices = @transform_3, window_bounds = array<i64: 1, 64>}, {pipeline_mode = #tpu.pipeline_mode<synchronous>, transform_indices = @transform_4, window_bounds = array<i64: 1, 64>}, {transform_indices = @transform_5, window_bounds = array<i64: 5000, 64>}]} {
    %get3A = arith.constant 0 : index
    %get3A_0 = arith.constant 0 : index
    %get3A_1 = vector.load %arg3[%get3A, %get3A_0] : memref<2x64xf32, #tpu.memory_space<vmem>>, vector<1x64xf32>
    %div3A = arith.constant 5.000000e+04 : f32
    %div3A_2 = vector.broadcast %div3A : f32 to vector<1x64xf32>
    %div3A_3 = arith.divf %get3A_1, %div3A_2 : vector<1x64xf32>
    %get3A_4 = arith.constant 1 : index
    %get3A_5 = arith.constant 0 : index
    %get3A_6 = vector.load %arg3[%get3A_4, %get3A_5] : memref<2x64xf32, #tpu.memory_space<vmem>>, vector<1x64xf32>
    %div3A_7 = arith.constant 5.000000e+04 : f32
    %div3A_8 = vector.broadcast %div3A_7 : f32 to vector<1x64xf32>
    %div3A_9 = arith.divf %get3A_6, %div3A_8 : vector<1x64xf32>
    %mul3A = arith.mulf %div3A_3, %div3A_3 : vector<1x64xf32>
    %sub3A = arith.subf %div3A_9, %mul3A : vector<1x64xf32>
    %get3A_10 = arith.constant 0 : index
    %get3A_11 = arith.constant 0 : index
    %get3A_12 = vector.load %arg4[%get3A_10, %get3A_11] : memref<1x64xf32, #tpu.memory_space<vmem>>, vector<1x64xf32>
    %add3A = arith.constant 9.99999974E-6 : f32
    %add3A_13 = vector.broadcast %add3A : f32 to vector<1x64xf32>
    %add3A_14 = arith.addf %sub3A, %add3A_13 : vector<1x64xf32>
    %rsqrt3A = math.rsqrt %add3A_14 : vector<1x64xf32>
    %mul3A_15 = arith.constant 5.000000e-01 : f32
    %mul3A_16 = vector.broadcast %mul3A_15 : f32 to vector<1x64xf32>
    %mul3A_17 = arith.mulf %mul3A_16, %add3A_14 : vector<1x64xf32>
    %mul3A_18 = arith.mulf %mul3A_17, %rsqrt3A : vector<1x64xf32>
    %mul3A_19 = arith.mulf %mul3A_18, %rsqrt3A : vector<1x64xf32>
    %sub3A_20 = arith.constant 1.500000e+00 : f32
    %sub3A_21 = vector.broadcast %sub3A_20 : f32 to vector<1x64xf32>
    %sub3A_22 = arith.subf %sub3A_21, %mul3A_19 : vector<1x64xf32>
    %mul3A_23 = arith.mulf %rsqrt3A, %sub3A_22 : vector<1x64xf32>
    %mul3A_24 = arith.mulf %get3A_12, %mul3A_23 : vector<1x64xf32>
    %get3A_25 = arith.constant 0 : index
    %get3A_26 = arith.constant 0 : index
    %get3A_27 = vector.load %arg5[%get3A_25, %get3A_26] : memref<1x64xf32, #tpu.memory_space<vmem>>, vector<1x64xf32>
    %mul3A_28 = arith.mulf %div3A_3, %mul3A_24 : vector<1x64xf32>
    %sub3A_29 = arith.subf %get3A_27, %mul3A_28 : vector<1x64xf32>
    %get3A_30 = arith.constant 0 : index
    %get3A_31 = arith.constant 0 : index
    %get3A_32 = vector.load %arg1[%get3A_30, %get3A_31] : memref<5000x64xf32, #tpu.memory_space<vmem>>, vector<5000x64xf32>
    %get3A_33 = arith.constant 0 : index
    %get3A_34 = arith.constant 0 : index
    %get3A_35 = vector.load %arg2[%get3A_33, %get3A_34] : memref<5000x64xf32, #tpu.memory_space<vmem>>, vector<5000x64xf32>
    %mul3A_36 = vector.broadcast %mul3A_24 : vector<1x64xf32> to vector<5000x64xf32>
    %mul3A_37 = arith.mulf %get3A_35, %mul3A_36 : vector<5000x64xf32>
    %add3A_38 = arith.addf %get3A_32, %mul3A_37 : vector<5000x64xf32>
    %add3A_39 = vector.broadcast %sub3A_29 : vector<1x64xf32> to vector<5000x64xf32>
    %add3A_40 = arith.addf %add3A_38, %add3A_39 : vector<5000x64xf32>
    %max3A = arith.constant 0.000000e+00 : f32
    %max3A_41 = vector.broadcast %max3A : f32 to vector<5000x64xf32>
    %max3A_42 = arith.maximumf %add3A_40, %max3A_41 : vector<5000x64xf32>
    %abs3A = math.absf %add3A_40 : vector<5000x64xf32>
    %neg3A = arith.constant 0.000000e+00 : f32
    %neg3A_43 = vector.broadcast %neg3A : f32 to vector<5000x64xf32>
    %neg3A_44 = arith.subf %neg3A_43, %abs3A : vector<5000x64xf32>
    %exp3A = math.exp %neg3A_44 : vector<5000x64xf32>
    %log1p3A = math.log1p %exp3A : vector<5000x64xf32>
    %add3A_45 = arith.addf %max3A_42, %log1p3A : vector<5000x64xf32>
    %swap3A = arith.constant 0 : index
    %swap3A_46 = arith.constant 0 : index
    %swap3A_47 = vector.load %arg6[%swap3A, %swap3A_46] : memref<5000x64xf32, #tpu.memory_space<vmem>>, vector<5000x64xf32>
    tpu.vector_store %arg6[%swap3A, %swap3A_46], %add3A_45 {strides = array<i32>} : memref<5000x64xf32, #tpu.memory_space<vmem>>, vector<5000x64xf32>,
    return
  }
  func.func @transform_0(%arg0: i32) -> (i32, i32) {
    %c0_i32 = arith.constant 0 : i32
    %c0_i32_0 = arith.constant 0 : i32
    return %arg0, %c0_i32 : i32, i32
  }
  func.func @transform_1(%arg0: i32) -> (i32, i32) {
    %c0_i32 = arith.constant 0 : i32
    %c0_i32_0 = arith.constant 0 : i32
    return %arg0, %c0_i32 : i32, i32
  }
  func.func @transform_2(%arg0: i32) -> (i32, i32) {
    %c0_i32 = arith.constant 0 : i32
    %c0_i32_0 = arith.constant 0 : i32
    %c0_i32_1 = arith.constant 0 : i32
    return %c0_i32, %c0_i32_0 : i32, i32
  }
  func.func @transform_3(%arg0: i32) -> (i32, i32) {
    %c0_i32 = arith.constant 0 : i32
    %c0_i32_0 = arith.constant 0 : i32
    %c0_i32_1 = arith.constant 0 : i32
    return %c0_i32, %c0_i32_0 : i32, i32
  }
  func.func @transform_4(%arg0: i32) -> (i32, i32) {
    %c0_i32 = arith.constant 0 : i32
    %c0_i32_0 = arith.constant 0 : i32
    %c0_i32_1 = arith.constant 0 : i32
    return %c0_i32, %c0_i32_0 : i32, i32
  }
  func.func @transform_5(%arg0: i32) -> (i32, i32) {
    %c0_i32 = arith.constant 0 : i32
    %c0_i32_0 = arith.constant 0 : i32
    return %arg0, %c0_i32 : i32, i32
  }
}

module attributes {stable_mosaic.version = 14 : i64} {
  func.func @_head_body(%arg0: memref<500x6400xf32, #tpu.memory_space<vmem>>, %arg1: memref<500x16xf32, #tpu.memory_space<vmem>>, %arg2: memref<64x128xf32, #tpu.memory_space<vmem>>, %arg3: memref<16x128xf32, #tpu.memory_space<vmem>>, %arg4: memref<1x128xf32, #tpu.memory_space<vmem>>, %arg5: memref<1x128xf32, #tpu.memory_space<vmem>>, %arg6: memref<1x1xf32, #tpu.memory_space<vmem>>, %arg7: memref<500x1xf32, #tpu.memory_space<vmem>>) attributes {dimension_semantics = [], scalar_prefetch = 0 : i64, scratch_operands = 0 : i64, tpu.core_type = #tpu.core_type<tc>} {
    %iota3A = tpu.iota {dimensions = array<i32: 0>} : vector<6400x64xi32>
    %jit3A = arith.constant 64 : i32
    %eq3A = arith.constant 0 : i32
    %eq3A_0 = arith.cmpi eq, %jit3A, %eq3A : i32
    %jit3A_1 = arith.constant 1 : i32
    %select_n3A = arith.select %eq3A_0, %jit3A_1, %jit3A : i32
    %rem3A = vector.broadcast %select_n3A : i32 to vector<6400x64xi32>
    %rem3A_2 = arith.remsi %iota3A, %rem3A : vector<6400x64xi32>
    %ne3A = arith.constant 0 : i32
    %ne3A_3 = vector.broadcast %ne3A : i32 to vector<6400x64xi32>
    %ne3A_4 = arith.cmpi ne, %rem3A_2, %ne3A_3 : vector<6400x64xi32>
    %lt3A = arith.constant 0 : i32
    %lt3A_5 = vector.broadcast %lt3A : i32 to vector<6400x64xi32>
    %lt3A_6 = arith.cmpi slt, %rem3A_2, %lt3A_5 : vector<6400x64xi32>
    %lt3A_7 = arith.constant 0 : i32
    %lt3A_8 = arith.cmpi slt, %select_n3A, %lt3A_7 : i32
    %ne3A_9 = vector.broadcast %lt3A_8 : i1 to vector<6400x64xi1>
    %ne3A_10 = vector.broadcast %ne3A_9 : vector<6400x64xi1> to vector<6400x64xi1>
    %ne3A_11 = arith.xori %lt3A_6, %ne3A_10 : vector<6400x64xi1>
    %and3A = arith.andi %ne3A_11, %ne3A_4 : vector<6400x64xi1>
    %add3A = vector.broadcast %select_n3A : i32 to vector<6400x64xi32>
    %add3A_12 = arith.addi %rem3A_2, %add3A : vector<6400x64xi32>
    %select_n3A_13 = arith.select %and3A, %add3A_12, %rem3A_2 : vector<6400x64xi1>, vector<6400x64xi32>
    %iota3A_14 = tpu.iota {dimensions = array<i32: 1>} : vector<6400x64xi32>
    %eq3A_15 = arith.cmpi eq, %select_n3A_13, %iota3A_14 : vector<6400x64xi32>
    %jit3A_16 = arith.constant 0.00999999977 : f32
    %jit3A_17 = arith.constant 0.000000e+00 : f32
    %broadcast_in_dim3A = vector.broadcast %jit3A_16 : f32 to vector<6400x64xf32>
    %broadcast_in_dim3A_18 = vector.broadcast %jit3A_17 : f32 to vector<6400x64xf32>
    %select_n3A_19 = arith.select %eq3A_15, %broadcast_in_dim3A, %broadcast_in_dim3A_18 : vector<6400x64xi1>, vector<6400x64xf32>
    %get3A = arith.constant 0 : index
    %get3A_20 = arith.constant 0 : index
    %get3A_21 = vector.load %arg0[%get3A, %get3A_20] : memref<500x6400xf32, #tpu.memory_space<vmem>>, vector<500x6400xf32>
    %dot_general3A = arith.constant dense<0.000000e+00> : vector<500x64xf32>
    %dot_general3A_22 = tpu.matmul %get3A_21, %select_n3A_19, %dot_general3A {dimension_numbers = #tpu.dot_dimension_numbers<[1], [0], [0], [1], [0, 0, 1, 1], [], []>, precision = #tpu.contract_precision<fp32>, transpose_lhs_hint = false} : vector<500x6400xf32>, vector<6400x64xf32>, vector<500x64xf32> -> vector<500x64xf32>
    %max3A = arith.constant 0.000000e+00 : f32
    %max3A_23 = vector.broadcast %max3A : f32 to vector<500x64xf32>
    %max3A_24 = arith.maximumf %dot_general3A_22, %max3A_23 : vector<500x64xf32>
    %abs3A = math.absf %dot_general3A_22 : vector<500x64xf32>
    %neg3A = arith.constant 0.000000e+00 : f32
    %neg3A_25 = vector.broadcast %neg3A : f32 to vector<500x64xf32>
    %neg3A_26 = arith.subf %neg3A_25, %abs3A : vector<500x64xf32>
    %exp3A = math.exp %neg3A_26 : vector<500x64xf32>
    %log1p3A = math.log1p %exp3A : vector<500x64xf32>
    %add3A_27 = arith.addf %max3A_24, %log1p3A : vector<500x64xf32>
    %get3A_28 = arith.constant 0 : index
    %get3A_29 = arith.constant 0 : index
    %get3A_30 = vector.load %arg1[%get3A_28, %get3A_29] : memref<500x16xf32, #tpu.memory_space<vmem>>, vector<500x16xf32>
    %max3A_31 = arith.constant 0.000000e+00 : f32
    %max3A_32 = vector.broadcast %max3A_31 : f32 to vector<500x16xf32>
    %max3A_33 = arith.maximumf %get3A_30, %max3A_32 : vector<500x16xf32>
    %abs3A_34 = math.absf %get3A_30 : vector<500x16xf32>
    %neg3A_35 = arith.constant 0.000000e+00 : f32
    %neg3A_36 = vector.broadcast %neg3A_35 : f32 to vector<500x16xf32>
    %neg3A_37 = arith.subf %neg3A_36, %abs3A_34 : vector<500x16xf32>
    %exp3A_38 = math.exp %neg3A_37 : vector<500x16xf32>
    %log1p3A_39 = math.log1p %exp3A_38 : vector<500x16xf32>
    %add3A_40 = arith.addf %max3A_33, %log1p3A_39 : vector<500x16xf32>
    %concatenate3A = tpu.concatenate %add3A_27, %add3A_40 in 1 : vector<500x64xf32>, vector<500x16xf32> -> vector<500x80xf32>
    %get3A_41 = arith.constant 0 : index
    %get3A_42 = arith.constant 0 : index
    %get3A_43 = vector.load %arg2[%get3A_41, %get3A_42] : memref<64x128xf32, #tpu.memory_space<vmem>>, vector<64x128xf32>
    %get3A_44 = arith.constant 0 : index
    %get3A_45 = arith.constant 0 : index
    %get3A_46 = vector.load %arg3[%get3A_44, %get3A_45] : memref<16x128xf32, #tpu.memory_space<vmem>>, vector<16x128xf32>
    %concatenate3A_47 = tpu.concatenate %get3A_43, %get3A_46 in 0 : vector<64x128xf32>, vector<16x128xf32> -> vector<80x128xf32>
    %convert_element_type3A = arith.truncf %concatenate3A : vector<500x80xf32> to vector<500x80xbf16>
    %convert_element_type3A_48 = arith.truncf %concatenate3A_47 : vector<80x128xf32> to vector<80x128xbf16>
    %dot_general3A_49 = arith.constant dense<0.000000e+00> : vector<500x128xf32>
    %dot_general3A_50 = tpu.matmul %convert_element_type3A, %convert_element_type3A_48, %dot_general3A_49 {dimension_numbers = #tpu.dot_dimension_numbers<[1], [0], [0], [1], [0, 0, 1, 1], [], []>, transpose_lhs_hint = false} : vector<500x80xbf16>, vector<80x128xbf16>, vector<500x128xf32> -> vector<500x128xf32>
    %get3A_51 = arith.constant 0 : index
    %get3A_52 = arith.constant 0 : index
    %get3A_53 = vector.load %arg4[%get3A_51, %get3A_52] : memref<1x128xf32, #tpu.memory_space<vmem>>, vector<1x128xf32>
    %add3A_54 = vector.broadcast %get3A_53 : vector<1x128xf32> to vector<500x128xf32>
    %add3A_55 = arith.addf %dot_general3A_50, %add3A_54 : vector<500x128xf32>
    %max3A_56 = arith.constant 0.000000e+00 : f32
    %max3A_57 = vector.broadcast %max3A_56 : f32 to vector<500x128xf32>
    %max3A_58 = arith.maximumf %add3A_55, %max3A_57 : vector<500x128xf32>
    %abs3A_59 = math.absf %add3A_55 : vector<500x128xf32>
    %neg3A_60 = arith.constant 0.000000e+00 : f32
    %neg3A_61 = vector.broadcast %neg3A_60 : f32 to vector<500x128xf32>
    %neg3A_62 = arith.subf %neg3A_61, %abs3A_59 : vector<500x128xf32>
    %exp3A_63 = math.exp %neg3A_62 : vector<500x128xf32>
    %log1p3A_64 = math.log1p %exp3A_63 : vector<500x128xf32>
    %add3A_65 = arith.addf %max3A_58, %log1p3A_64 : vector<500x128xf32>
    %convert_element_type3A_66 = arith.truncf %add3A_65 : vector<500x128xf32> to vector<500x128xbf16>
    %convert_element_type3A_67 = arith.extf %convert_element_type3A_66 : vector<500x128xbf16> to vector<500x128xf32>
    %get3A_68 = arith.constant 0 : index
    %get3A_69 = arith.constant 0 : index
    %get3A_70 = vector.load %arg5[%get3A_68, %get3A_69] : memref<1x128xf32, #tpu.memory_space<vmem>>, vector<1x128xf32>
    %convert_element_type3A_71 = arith.truncf %get3A_70 : vector<1x128xf32> to vector<1x128xbf16>
    %convert_element_type3A_72 = arith.extf %convert_element_type3A_71 : vector<1x128xbf16> to vector<1x128xf32>
    %mul3A = vector.broadcast %convert_element_type3A_72 : vector<1x128xf32> to vector<500x128xf32>
    %mul3A_73 = arith.mulf %convert_element_type3A_67, %mul3A : vector<500x128xf32>
    %reduce_sum3A = arith.constant dense<0.000000e+00> : vector<500xf32>
    %reduce_sum3A_74 = vector.multi_reduction <add>, %mul3A_73, %reduce_sum3A [1] : vector<500x128xf32> to vector<500xf32>
    %broadcast_in_dim3A_75 = vector.shape_cast %reduce_sum3A_74 : vector<500xf32> to vector<500x1xf32>
    %get3A_76 = arith.constant 0 : index
    %get3A_77 = arith.constant 0 : index
    %get3A_78 = vector.load %arg6[%get3A_76, %get3A_77] : memref<1x1xf32, #tpu.memory_space<vmem>>, vector<1x1xf32>
    %add3A_79 = vector.broadcast %get3A_78 : vector<1x1xf32> to vector<500x1xf32>
    %add3A_80 = arith.addf %broadcast_in_dim3A_75, %add3A_79 : vector<500x1xf32>
    %swap3A = arith.constant 0 : index
    %swap3A_81 = arith.constant 0 : index
    %swap3A_82 = vector.load %arg7[%swap3A, %swap3A_81] : memref<500x1xf32, #tpu.memory_space<vmem>>, vector<500x1xf32>
    tpu.vector_store %arg7[%swap3A, %swap3A_81], %add3A_80 {strides = array<i32>} : memref<500x1xf32, #tpu.memory_space<vmem>>, vector<500x1xf32>,
    return
  }
}

</mosaic_0001>

<sc_bundles>
// kernel: kernel.16.cloned.1.call-start
scs
__scs_entry_jumppad:
0x0: {  	(pc) =	sbr.rel $0x88, $3  }
0x1: {  	(tag) =	ssettag $0x0;
	lr =	simm.s32 $0x1  }
0x2: {  	[smem:$0x3F85] =	sst lr;
	_ =	strace $0xD0000000  }
0x3: {  	_ = 	snop  }
0x4: {  	_ = 	snop  }
0x5: {  	_ = 	snop  }
0x6: {  	_ = 	snop  }
0x7: {  	_ = 	snop  }
__scs_overlays_trampoline_lowered:
0x8: {  	[smem:$0x3F94] =	sst s0  }
0x9: {  	[smem:$0x3F95] =	sst s1  }
0xa: {  	[smem:$0x3F96] =	sst s2  }
0xb: {  	[smem:$0x3F97] =	sst s3  }
0xc: {  	[smem:$0x3F98] =	sst s4  }
0xd: {  	[smem:$0x3F99] =	sst s5  }
0xe: {  	[smem:$0x3F9A] =	sst s6  }
0xf: {  	[smem:$0x3F9B] =	sst s7  }
0x10: {  	[smem:$0x3F9C] =	sst s8  }
0x11: {  	[smem:$0x3F9D] =	sst s9;
	s0 =	simm.s32 @!p0 $0x0  }
0x12: {  	s1 =	sld [smem:$0x3F83];
	s0 =	simm.s32 @p0 $0x1  }
0x13: {  	[smem:$0x3F9E] =	sst s0;
	s0 =	simm.s32 @!p1 $0x0  }
0x14: {  	s2 =	sld [smem:$0x3F82];
	s0 =	simm.s32 @p1 $0x1  }
0x15: {  	[smem:$0x3F9F] =	sst s0;
	s0 =	simm.s32 @!p2 $0x0  }
0x16: {  	s3 =	sld [smem:$0x3FDB];
	s0 =	simm.s32 @p2 $0x1  }
0x17: {  	s4 =	simm.s32 $0x1BF5;
	[smem:$0x3FA1] =	sst s0  }
0x18: {  	s0 =	sld [smem:$0x3F84];
	_ =	swait.ge [sflag:s4], $0x0  }
0x19: {  	s7 =	sld [smem:$0x3F85]  }
0x1a: {  	s8 =	sadd.s32 $0xFFFFE003, lr  }
0x1b: {  	s9 =	sadd.s32 $0xFFFFFEF7, lr;
	s5 =	simm.s32 $0xFFFFFFFF;
	p2 =	slt.u32 s8, $0xFFFFF086  }
0x1c: {  	p1 =	slt.u32 s9, $0xF7A;
	s5 =	simm.s32 @!p2 $0x0  }
0x1d: {  	s5 =	simm.s32 @p1 $0x1;
	p0 =	seq.s32 s7, s2  }
0x1e: {  	s7 =	smul.u32 @!p0 $0xF7A, s2;
	p2 =	seq.s32 @!p0 s5, $0x0  }
0x1f: {  	s9 =	smul.u32 $0xF7A, s1;
	s8 =	simm.s32 @!p0 $0x1BF5;
	p2 =	por !p2, p0  }
0x20: {  	[sflag:s8] =	ssyncset.s32 @!p0 $0xFFFFF086;
	s6 =	sadd.s32 @!p0 s3, s7;
	s7 =	simm.s32 @!p0 $0x108  }
0x21: {  	s3 =	sadd.s32 s3, s9;
	s6 =	sadd.s32 @!p0 $0x88, s6;
	s7 =	simm.s32 @p2 $0x1082  }
0x22: {  	[simem:s7], [sflag:s8] =	dma.local @!p0 [hbm:s6], $0xF7A  }
0x23: {  	s9 =	sor.u32 $0xD0000000, s2;
	s6 =	simm.s32 $0x108;
	_ =	swait.ge @!p0 [sflag:s8], $0x0  }
0x24: {  	s3 =	sadd.s32 $0x88, s3;
	s6 =	simm.s32 @!p1 $0x1082;
	[sflag:s4] =	ssyncset.s32 $0xFFFFF086  }
0x25: {  	[simem:s6], [sflag:s4] =	dma.local [hbm:s3], $0xF7A  }
0x26: {  	[smem:$0x3F85] =	sst s1;
	(tag) =	ssettag s2;
	_ =	strace s9  }
0x27: {  	s1 =	sld [smem:$0x3F95]  }
0x28: {  	s2 =	sld [smem:$0x3F96]  }
0x29: {  	s4 =	sld [smem:$0x3F98]  }
0x2a: {  	p0 =	seq.s32 s5, $0x0;
	s5 =	sld [smem:$0x3F99]  }
0x2b: {  	s6 =	sld [smem:$0x3F9A]  }
0x2c: {  	s7 =	sld [smem:$0x3F9B]  }
0x2d: {  	s3 =	simm.s32 $0x108;
	s8 =	sld [smem:$0x3F9C]  }
0x2e: {  	s3 =	simm.s32 @!p0 $0x1082;
	s9 =	sld [smem:$0x3F9D]  }
0x2f: {  	lr =	sadd.s32 s0, s3;
	s0 =	sld [smem:$0x3F94]  }
0x30: {  	s3 =	sld [smem:$0x3F97]  }
0x31: {  	[smem:$0x3FA0] =	sst s10  }
0x32: {  	s10 =	sld [smem:$0x3F9E];
	_ =	sdelay $0x3  }
0x33: {  	p0 =	seq.s32 s10, $0x1;
	s10 =	sld [smem:$0x3FA0];
	_ =	sdelay $0x3  }
0x34: {  	[smem:$0x3FA0] =	sst s10  }
0x35: {  	s10 =	sld [smem:$0x3F9F];
	_ =	sdelay $0x3  }
0x36: {  	p1 =	seq.s32 s10, $0x1;
	s10 =	sld [smem:$0x3FA0];
	_ =	sdelay $0x3  }
0x37: {  	[smem:$0x3FA0] =	sst s10  }
0x38: {  	s10 =	sld [smem:$0x3FA1]  }
0x39: {  	_ = 	snop;
	(pc) =	sbr.ind lr, $3  }
0x3a: {  	_ = 	snop  }
0x3b: {  	_ = 	snop  }
0x3c: {  	p2 =	seq.s32 s10, $0x1;
	s10 =	sld [smem:$0x3FA0]  }
0x3d: {  	_ =	shalt  }
0x3e: {  	_ =	shalt  }
0x3f: {  	_ =	shalt  }
0x40: {  	_ =	shalt  }
0x41: {  	_ =	shalt  }
0x42: {  	_ =	shalt  }
0x43: {  	_ =	shalt  }
0x44: {  	_ =	shalt  }
0x45: {  	_ =	shalt  }
0x46: {  	_ =	shalt  }
0x47: {  	_ =	shalt  }
0x48: {  	_ =	shalt  }
0x49: {  	_ =	shalt  }
0x4a: {  	_ =	shalt  }
0x4b: {  	_ =	shalt  }
0x4c: {  	_ =	shalt  }
0x4d: {  	_ =	shalt  }
0x4e: {  	_ =	shalt  }
0x4f: {  	_ =	shalt  }
0x50: {  	_ =	shalt  }
0x51: {  	_ =	shalt  }
0x52: {  	_ =	shalt  }
0x53: {  	_ =	shalt  }
0x54: {  	_ =	shalt  }
0x55: {  	_ =	shalt  }
0x56: {  	_ =	shalt  }
0x57: {  	_ =	shalt  }
0x58: {  	_ =	shalt  }
0x59: {  	_ =	shalt  }
0x5a: {  	_ =	shalt  }
0x5b: {  	_ =	shalt  }
0x5c: {  	_ =	shalt  }
0x5d: {  	_ =	shalt  }
0x5e: {  	_ =	shalt  }
0x5f: {  	_ =	shalt  }
0x60: {  	_ =	shalt  }
0x61: {  	_ =	shalt  }
0x62: {  	_ =	shalt  }
0x63: {  	_ =	shalt  }
0x64: {  	_ =	shalt  }
0x65: {  	_ =	shalt  }
0x66: {  	_ =	shalt  }
0x67: {  	_ =	shalt  }
0x68: {  	_ =	shalt  }
0x69: {  	_ =	shalt  }
0x6a: {  	_ =	shalt  }
0x6b: {  	_ =	shalt  }
0x6c: {  	_ =	shalt  }
0x6d: {  	_ =	shalt  }
0x6e: {  	_ =	shalt  }
0x6f: {  	_ =	shalt  }
0x70: {  	_ =	shalt  }
0x71: {  	_ =	shalt  }
0x72: {  	_ =	shalt  }
0x73: {  	_ =	shalt  }
0x74: {  	_ =	shalt  }
0x75: {  	_ =	shalt  }
0x76: {  	_ =	shalt  }
0x77: {  	_ =	shalt  }
0x78: {  	_ =	shalt  }
0x79: {  	_ =	shalt  }
0x7a: {  	_ =	shalt  }
0x7b: {  	_ =	shalt  }
0x7c: {  	_ =	shalt  }
0x7d: {  	_ =	shalt  }
0x7e: {  	_ =	shalt  }
0x7f: {  	_ =	shalt  }
0x80: {  	_ =	shalt  }
0x81: {  	_ =	shalt  }
0x82: {  	_ =	shalt  }
0x83: {  	_ =	shalt  }
0x84: {  	_ =	shalt  }
0x85: {  	_ =	shalt  }
0x86: {  	_ =	shalt  }
0x87: {  	_ =	shalt  }
.Lfunc_end0:
.L_simem_size_0:
called_computation_lowered:
.L_overlay_start_0:
0x88: {  	s2 =	sld [smem:$0x3FD9]  }
0x89: {  	s3 =	sld [smem:$0x3FFE];
	_ =	sdelay $0x1  }
0x8a: {  	s1 =	srdreg.scid  }
0x8b: {  	s0 =	sand.u32 $0x1, s1  }
0x8c: {  	s16 =	sshll.u32 s0, $0xA;
	s2 =	sadd.s32 s3, s2  }
0x8d: {  	s2 =	sadd.s32 s2, s16  }
0x8e: {  	[smem:$0x3FAC] =	sst s2  }
0x8f: {  	_ = 	snop  }
0x90: {  	(tm) =	ssettm $0x1  }
0x91: {  	s17 =	sld [smem:$0x3FFB];
	_ =	sdelay $0x3  }
0x92: {  	_ =	strace s17  }
0x93: {  	s2 =	sld [smem:$0x3FFC];
	_ =	sdelay $0x3  }
0x94: {  	_ =	strace s2  }
0x95: {  	s2 =	sld [smem:$0x3FFD];
	_ =	sdelay $0x3  }
0x96: {  	_ =	strace s2  }
0x97: {  	_ =	strace $0x8FFFFFFF  }
0x98: {  	s18 =	sld [smem:$0x3FDB];
	_ =	sdelay $0x1  }
0x99: {  	s19 =	simm.s32 $_scs_section_size  }
0x9a: {  	s4 =	simm.s32 $_size__tile_overlayer_lowered;
	s5 =	simm.s32 $_tile_overlayer_lowered  }
0x9b: {  	s22 =	simm.s32 $0x1BFF;
	s21 =	sshll.u32 s5, $0x1;
	s2 =	sadd.s32 s19, s18  }
0x9c: {  	s6 =	simm.s32 $0x0;
	s20 =	sshll.u32 s4, $0x1;
	s4 =	sadd.s32 s21, s2  }
0x9d: {  	[timem:s6], [sflag:s22] =	dma.local [hbm:s4], s20  }
0x9e: {  	_ =	swait.ge [sflag:s22], s20  }
0x9f: {  	s3 =	ssub.s32 $0x0, s20;
	[sflag:s22] =	ssyncset.done $0x0  }
0xa0: {  	[sflag:s22] =	ssyncadd.s32 s3;
	_ =	sdelay $0x1  }
0xa1: {  	s23 =	simm.s32 $0x1B8B  }
0xa2: {  	_ =	swait.ge [sflag:s23], $0x1  }
0xa3: {  	[sflag:s23] =	ssyncset.done $0x0  }
0xa4: {  	s25 =	simm.s32 $0x1B8E;
	s24 =	sld [smem:$0x3FFE];
	[sflag:s23] =	ssyncadd.s32 $0xFFFFFFFF  }
0xa5: {  	s26 =	simm.s32 $execute0_lowered;
	[smem:$0x3FD2] =	sst s25  }
0xa6: {  	s4 =	sshll.u32 s26, $0x1;
	_ =	strace $0x80000046;
	[dreg:$0x1] =	wrdreg $0xFFFFFFFF  }
0xa7: {  	s28 =	simm.s32 $_size_execute0_lowered;
	s2 =	sadd.s32 s2, s4;
	[dreg:$0x0] =	wrdreg $0x0  }
0xa8: {  	s4 =	sshll.u32 s28, $0x1;
	[dreg:$0x2] =	wrdreg s2  }
0xa9: {  	[dreg:$0x3] =	wrdreg s4  }
0xaa: {  	[dreg:$0x4] =	wrdreg $0xC0  }
0xab: {  	_ =	task [dreg:s6], $0x5FFFF  }
0xac: {  	[dreg:$0x1] =	wrdreg $0xFFFFFFFF  }
0xad: {  	[dreg:$0x0] =	wrdreg $0x60  }
0xae: {  	[dreg:$0x2] =	wrdreg s24  }
0xaf: {  	[dreg:$0x3] =	wrdreg $0x9  }
0xb0: {  	_ =	task.clear_ibuf [dreg:s6], $0x4FFFF;
	_ =	strace $0x90000046  }
0xb1: {  	s29 =	simm.s32 $0x9;
	_ =	strace $0x80000048  }
0xb2: {  	_ =	swait.ge [sflag:s29], $0x1  }
0xb3: {  	[sflag:s29] =	ssyncadd.s32 $0xFFFFFFFF  }
0xb4: {  	_ =	strace $0x90000048  }
0xb5: {  	_ =	sfence  }
0xb6: {  	s30 =	sld [smem:$0x0];
	_ =	sdelay $0x2  }
0xb7: {  	s31 =	sshll.u32 s1, $0xD;
	s1 =	sshrl.u32 s1, $0x2  }
0xb8: {  	s3 =	sand.u32 $0x4000, s31;
	s1 =	sadd.s32 s1, s30  }
0xb9: {  	s0 =	sor.u32 s3, s0;
	s1 =	sshll.u32 s1, $0x11  }
0xba: {  	s0 =	sor.u32 s1, s0  }
0xbb: {  	s0 =	sadd.s32 $0x8F2B, s0  }
0xbc: {  	[sflag:s0] =	ssyncadd.remote.s32 $0x1  }
0xbd: {  	_ =	sfence.sel $0xFFFF  }
0xbe: {  	[dreg:$0x0] =	wrdreg $0xFFFFFFFF;
	(pc) =	sbr.abs _section_cstart, $3  }
0xbf: {  	[dreg:$0x1] =	wrdreg $0xFFFFFFFF  }
0xc0: {  	_ =	task.clear_ibuf [dreg:s6], $0x2FFFF;
	_ =	strace $0x9FFFFFFF  }
0xc1: {  	(tm) =	ssettm $0x7FFFFFFF  }
tec
execute0_lowered:
.L_overlay_start_1:
0x0: {  	(tag) =	ssettag $0x1  }
0x1: {  	s1 =	srdreg.scid;
	s0 =	stileid.u32  }
0x2: {  	s4 =	rddreg [dreg:$0x0];
	s2 =	simm.s32 $0x0;
	s11 =	simm.s32 $0x4  }
0x3: {  	s12 =	simm.s32 $0x0;
	s5 =	sand.u32 $0x1, s1;
	s1 =	rddreg [dreg:$0x1]  }
0x4: {  	s3 =	sshll.u32 s0, $0x1;
	[smem:$0x7FF] =	sst s2;
	s29 =	smul.u32 $0xC3500, s0  }
0x5: {  	s10 =	sadd.s32 $0x1A5200, s4;
	s6 =	sor.u32 s5, s3;
	s30 =	smul.u32 $0x61A80, s5  }
0x6: {  	_ =	strace $0x80000047;
	s8 =	ssub.s32 $0x2, s5;
	s7 =	smul.u32 $0x61A8, s6  }
0x7: {  	s3 =	sadd.s32 $0x1E600, s4;
	s9 =	sshrl.u32 s8, $0x1;
	s6 =	smul.u32 $0x61A80, s6  }
0x8: {  	s31 =	sadd.s32 s29, s10;
	s8 =	ssub.s32 s8, s9;
	s9 =	simm.s32 $0x6200  }
0x9: {  	s7 =	sshrl.u32 s7, $0x3;
	s6 =	sadd.s32 s10, s6;
	s5 =	smax.u32 s8, $0x1  }
0xa: {  	s8 =	simm.s32 $0x3;
	s10 =	simm.s32 $0x1;
	s7 =	sadd.s32 s7, s4  }
0xb: {  	s6 =	sadd.s32 $0x60E00, s6;
	s4 =	sadd.s32 $0x5E00, s7;
	s7 =	sadd.s32 s30, s31  }
.LBB2_1:
0xc: {  	[tilespmem:s2], [sflag:$0x3] =	stream.linear.gather [hbm4b:s4+s2], $0x61A8, $0x38;
	[tilespmem:$0x12A00] =	vst v63  }
0xd: {  	s14 =	sand.u32 $0x1, s2;
	_ =	swait.ge [sflag:s8], $0x61A8  }
0xe: {  	p0 =	seq.s32 s14, $0x1;
	[sflag:s8] =	ssyncset.done $0x0  }
0xf: {  	s13 =	simm.s32 $0xC8;
	s14 =	simm.s32 @p0 $0x2;
	[sflag:s8] =	ssyncadd.s32 $0xFFFF9E58  }
0x10: {  	[tilespmem:s9], [sflag:$0x1] =	stream.indirect.gather [hbm4b:s3+s13], $0x80, s2, s13, $0xb8;
	[tilespmem:$0x12A00] =	vst v63  }
0x11: {  	_ =	swait.ge @p0 [sflag:s14], $0x6400  }
0x12: {  	[sflag:s14] =	ssyncset.done @p0 $0x0  }
0x13: {  	s15 =	simm.s32 @p0 $0x6200;
	[sflag:s14] =	ssyncadd.s32 @p0 $0xFFFF9C00;
	s14 =	simm.s32 @p0 $0xC8  }
0x14: {  	[tilespmem:s15], [sflag:$0x1] =	stream.indirect.gather @p0 [hbm4b:s3+s14], $0x80, s13, s14, $0xb8;
	[tilespmem:$0x12A00] =	vst v63  }
0x15: {  	s16 =	simm.s32 @!p0 $0x1;
	s14 =	simm.s32 @p0 $0x0;
	s15 =	simm.s32 @p0 $0xC600  }
0x16: {  	[hbm4b:s7+s14] =	stream.linear.scatter @p0 [tilespmem:s15], [sflag:$0x3], $0x6400, $0x38;
	[tilespmem:$0x12A00] =	vst v63  }
0x17: {  	_ =	swait.ge @!p0 [sflag:s16], $0x6400  }
0x18: {  	s31 =	simm.s32 $0x1;
	s17 =	simm.s32 @!p0 $0xC600;
	[sflag:s16] =	ssyncset.done @!p0 $0x0  }
0x19: {  	s15 =	simm.s32 @!p0 $0x4;
	[sflag:s16] =	ssyncadd.s32 @!p0 $0xFFFF9C00;
	s16 =	simm.s32 @!p0 $0xC8  }
0x1a: {  	[tilespmem:s17], [sflag:$0x2] =	stream.indirect.gather @!p0 [hbm4b:s3+s16], $0x80, s13, s16, $0xb8;
	[tilespmem:$0x12A00] =	vst v63  }
0x1b: {  	s15 =	simm.s32 @p0 $0x3;
	s13 =	simm.s32 @!p0 $0x0;
	s16 =	simm.s32 @!p0 $0x6200  }
0x1c: {  	[hbm4b:s7+s13] =	stream.linear.scatter @!p0 [tilespmem:s16], [sflag:$0x4], $0x6400, $0x38;
	[tilespmem:$0x12A00] =	vst v63  }
0x1d: {  	s14 =	simm.s32 $0x190;
	s17 =	sand.u32 $0x1, s31;
	_ =	swait.ge [sflag:s15], $0x6400  }
0x1e: {  	s16 =	simm.s32 $0x2;
	s13 =	sadd.s32 $0xC80, s7;
	[sflag:s15] =	ssyncset.done $0x0  }
.LBB2_2:
0x1f: {  	p1 =	seq.s32 s17, $0x1  }
0x20: {  	[sflag:s15] =	ssyncadd.s32 $0xFFFF9C00;
	s17 =	smov.u32 s16;
	s16 =	sadd.s32 $0x1, s16  }
0x21: {  	p0 =	sne.s32 s16, $0x7C;
	s18 =	simm.s32 @p1 $0x2;
	s15 =	simm.s32 @!p1 $0x4  }
0x22: {  	_ =	swait.ge @p1 [sflag:s18], $0x6400  }
0x23: {  	[sflag:s18] =	ssyncset.done @p1 $0x0  }
0x24: {  	s19 =	simm.s32 @p1 $0x6200;
	[sflag:s18] =	ssyncadd.s32 @p1 $0xFFFF9C00;
	s18 =	simm.s32 @p1 $0xC8  }
0x25: {  	[tilespmem:s19], [sflag:$0x1] =	stream.indirect.gather @p1 [hbm4b:s3+s18], $0x80, s14, s18, $0xb8;
	[tilespmem:$0x12A00] =	vst v63  }
0x26: {  	s20 =	simm.s32 @!p1 $0x1;
	s18 =	simm.s32 @p1 $0x0;
	s19 =	simm.s32 @p1 $0xC600  }
0x27: {  	[hbm4b:s13+s18] =	stream.linear.scatter @p1 [tilespmem:s19], [sflag:$0x3], $0x6400, $0x38;
	[tilespmem:$0x12A00] =	vst v63  }
0x28: {  	_ =	swait.ge @!p1 [sflag:s20], $0x6400  }
0x29: {  	[sflag:s20] =	ssyncset.done @!p1 $0x0  }
0x2a: {  	s18 =	simm.s32 @!p1 $0xC8;
	s19 =	simm.s32 @!p1 $0xC600;
	[sflag:s20] =	ssyncadd.s32 @!p1 $0xFFFF9C00  }
0x2b: {  	[tilespmem:s19], [sflag:$0x2] =	stream.indirect.gather @!p1 [hbm4b:s3+s18], $0x80, s14, s18, $0xb8;
	[tilespmem:$0x12A00] =	vst v63  }
.Ltmp0:
0x2c: {  	_ = 	snop;
	(pc) =	sbr.rel @p0 .LBB2_2-.Ltmp0, $4  }
0x2d: {  	s15 =	simm.s32 @p1 $0x3;
	s18 =	simm.s32 @!p1 $0x0;
	s19 =	simm.s32 @!p1 $0x6200  }
0x2e: {  	[hbm4b:s13+s18] =	stream.linear.scatter @!p1 [tilespmem:s19], [sflag:$0x4], $0x6400, $0x38;
	[tilespmem:$0x12A00] =	vst v63  }
0x2f: {  	s13 =	sadd.s32 $0xC80, s13;
	_ =	swait.ge [sflag:s15], $0x6400  }
0x30: {  	s17 =	sand.u32 $0x1, s17;
	s14 =	sadd.s32 $0xC8, s14;
	[sflag:s15] =	ssyncset.done $0x0  }
0x31: {  	p0 =	seq.s32 s17, $0x1  }
0x32: {  	[sflag:s15] =	ssyncadd.s32 $0xFFFF9C00;
	s15 =	simm.s32 @p0 $0x2  }
0x33: {  	_ =	swait.ge @p0 [sflag:s15], $0x6400  }
0x34: {  	[sflag:s15] =	ssyncset.done @p0 $0x0  }
0x35: {  	s16 =	simm.s32 @p0 $0x6200;
	[sflag:s15] =	ssyncadd.s32 @p0 $0xFFFF9C00;
	s15 =	simm.s32 @p0 $0xC8  }
0x36: {  	[tilespmem:s16], [sflag:$0x1] =	stream.indirect.gather @p0 [hbm4b:s3+s15], $0x80, s14, s15, $0xb8;
	[tilespmem:$0x12A00] =	vst v63  }
0x37: {  	s17 =	simm.s32 @!p0 $0x1;
	s15 =	simm.s32 @p0 $0x0;
	s16 =	simm.s32 @p0 $0xC600  }
0x38: {  	[hbm4b:s13+s15] =	stream.linear.scatter @p0 [tilespmem:s16], [sflag:$0x3], $0x6400, $0x38;
	[tilespmem:$0x12A00] =	vst v63  }
0x39: {  	_ =	swait.ge @!p0 [sflag:s17], $0x6400  }
0x3a: {  	s15 =	simm.s32 @!p0 $0x4;
	[sflag:s17] =	ssyncset.done @!p0 $0x0  }
0x3b: {  	s16 =	simm.s32 @!p0 $0xC8;
	[sflag:s17] =	ssyncadd.s32 @!p0 $0xFFFF9C00;
	s17 =	simm.s32 @!p0 $0xC600  }
0x3c: {  	[tilespmem:s17], [sflag:$0x2] =	stream.indirect.gather @!p0 [hbm4b:s3+s16], $0x80, s14, s16, $0xb8;
	[tilespmem:$0x12A00] =	vst v63  }
0x3d: {  	s15 =	simm.s32 @p0 $0x3;
	s14 =	simm.s32 @!p0 $0x0;
	s16 =	simm.s32 @!p0 $0x6200  }
0x3e: {  	[hbm4b:s13+s14] =	stream.linear.scatter @!p0 [tilespmem:s16], [sflag:$0x4], $0x6400, $0x38;
	[tilespmem:$0x12A00] =	vst v63  }
0x3f: {  	_ =	swait.ge [sflag:s15], $0x6400  }
0x40: {  	[sflag:s15] =	ssyncset.done $0x0  }
0x41: {  	[sflag:s15] =	ssyncadd.s32 $0xFFFF9C00  }
0x42: {  	s12 =	sadd.s32 $0x1, s12;
	_ =	swait.ge [sflag:s10], $0x6400  }
0x43: {  	p0 =	sne.s32 s12, s5;
	[sflag:s10] =	ssyncset.done $0x0  }
.Ltmp1:
0x44: {  	[sflag:s10] =	ssyncadd.s32 $0xFFFF9C00;
	(pc) =	sbr.rel @p0 .LBB2_1-.Ltmp1, $4  }
0x45: {  	[hbm4b:s6+s2] =	stream.linear.scatter [tilespmem:s9], [sflag:$0x4], $0x6400, $0x38;
	[tilespmem:$0x12A00] =	vst v63  }
0x46: {  	_ =	swait.ge [sflag:s11], $0x6400  }
0x47: {  	[sflag:s11] =	ssyncset.done $0x0  }
0x48: {  	[sflag:s11] =	ssyncadd.s32 $0xFFFF9C00  }
0x49: {  	_ =	sfence.sel $0x180000  }
0x4a: {  	[bflag:$0x0] =	sbarrier.arrive $0xFFFF  }
0x4b: {  	p0 =	sne.s32 s0, $0x0;
	_ =	strace $0x90000047  }
0x4c: {  	s0 =	sadd.s32 @!p0 $0x100000, s1;
	[bflag:$0x2] =	sbarrier.arrive $0xFFFF  }
0x4d: {  	[sflag:s0] =	ssyncadd.tile.s32 @!p0 $0x1;
	_ =	shalt  }
.Lfunc_end2:
_tile_overlayer_lowered:
.L_overlay_start_2:
0x4e: {  	(tag) =	ssettag $0x2  }
0x4f: {  	s0 =	rddreg [dreg:$0x0];
	s2 =	stileid.u32  }
0x50: {  	s1 =	rddreg [dreg:$0x1];
	p0 =	sne.s32 s2, $0x0  }
0x51: {  	s3 =	rddreg [dreg:$0x2];
	[bflag:$0x3] =	sbarrier.arrive $0xFFFF;
	s2 =	simm.s32 @!p0 $0x1C03  }
0x52: {  	[timem:s3], [sflag:s2] =	dma.local @!p0 [hbm:s0], s1  }
0x53: {  	s0 =	simm.s32 @!p0 $0x3  }
0x54: {  	_ =	swait.ge @!p0 [sflag:s0], s1  }
0x55: {  	s1 =	ssub.s32 @!p0 $0x0, s1;
	[sflag:s0] =	ssyncset.done @!p0 $0x0  }
0x56: {  	[sflag:s0] =	ssyncadd.s32 @!p0 s1  }
0x57: {  	[bflag:$0x3] =	sbarrier.arrive $0xFFFF  }
0x58: {  	_ =	shalt  }

// kernel: kernel.19.cloned.1.call-start
scs
__scs_entry_jumppad:
0x0: {  	(pc) =	sbr.rel $0x88, $3  }
0x1: {  	(tag) =	ssettag $0x0;
	lr =	simm.s32 $0x1  }
0x2: {  	[smem:$0x3F85] =	sst lr;
	_ =	strace $0xD0000000  }
0x3: {  	_ = 	snop  }
0x4: {  	_ = 	snop  }
0x5: {  	_ = 	snop  }
0x6: {  	_ = 	snop  }
0x7: {  	_ = 	snop  }
__scs_overlays_trampoline_lowered:
0x8: {  	[smem:$0x3F94] =	sst s0  }
0x9: {  	[smem:$0x3F95] =	sst s1  }
0xa: {  	[smem:$0x3F96] =	sst s2  }
0xb: {  	[smem:$0x3F97] =	sst s3  }
0xc: {  	[smem:$0x3F98] =	sst s4  }
0xd: {  	[smem:$0x3F99] =	sst s5  }
0xe: {  	[smem:$0x3F9A] =	sst s6  }
0xf: {  	[smem:$0x3F9B] =	sst s7  }
0x10: {  	[smem:$0x3F9C] =	sst s8  }
0x11: {  	[smem:$0x3F9D] =	sst s9;
	s0 =	simm.s32 @!p0 $0x0  }
0x12: {  	s1 =	sld [smem:$0x3F83];
	s0 =	simm.s32 @p0 $0x1  }
0x13: {  	[smem:$0x3F9E] =	sst s0;
	s0 =	simm.s32 @!p1 $0x0  }
0x14: {  	s2 =	sld [smem:$0x3F82];
	s0 =	simm.s32 @p1 $0x1  }
0x15: {  	[smem:$0x3F9F] =	sst s0;
	s0 =	simm.s32 @!p2 $0x0  }
0x16: {  	s3 =	sld [smem:$0x3FDB];
	s0 =	simm.s32 @p2 $0x1  }
0x17: {  	s4 =	simm.s32 $0x1BF5;
	[smem:$0x3FA1] =	sst s0  }
0x18: {  	s0 =	sld [smem:$0x3F84];
	_ =	swait.ge [sflag:s4], $0x0  }
0x19: {  	s7 =	sld [smem:$0x3F85]  }
0x1a: {  	s8 =	sadd.s32 $0xFFFFE003, lr  }
0x1b: {  	s9 =	sadd.s32 $0xFFFFFEF7, lr;
	s5 =	simm.s32 $0xFFFFFFFF;
	p2 =	slt.u32 s8, $0xFFFFF086  }
0x1c: {  	p1 =	slt.u32 s9, $0xF7A;
	s5 =	simm.s32 @!p2 $0x0  }
0x1d: {  	s5 =	simm.s32 @p1 $0x1;
	p0 =	seq.s32 s7, s2  }
0x1e: {  	s7 =	smul.u32 @!p0 $0xF7A, s2;
	p2 =	seq.s32 @!p0 s5, $0x0  }
0x1f: {  	s9 =	smul.u32 $0xF7A, s1;
	s8 =	simm.s32 @!p0 $0x1BF5;
	p2 =	por !p2, p0  }
0x20: {  	[sflag:s8] =	ssyncset.s32 @!p0 $0xFFFFF086;
	s6 =	sadd.s32 @!p0 s3, s7;
	s7 =	simm.s32 @!p0 $0x108  }
0x21: {  	s3 =	sadd.s32 s3, s9;
	s6 =	sadd.s32 @!p0 $0x88, s6;
	s7 =	simm.s32 @p2 $0x1082  }
0x22: {  	[simem:s7], [sflag:s8] =	dma.local @!p0 [hbm:s6], $0xF7A  }
0x23: {  	s9 =	sor.u32 $0xD0000000, s2;
	s6 =	simm.s32 $0x108;
	_ =	swait.ge @!p0 [sflag:s8], $0x0  }
0x24: {  	s3 =	sadd.s32 $0x88, s3;
	s6 =	simm.s32 @!p1 $0x1082;
	[sflag:s4] =	ssyncset.s32 $0xFFFFF086  }
0x25: {  	[simem:s6], [sflag:s4] =	dma.local [hbm:s3], $0xF7A  }
0x26: {  	[smem:$0x3F85] =	sst s1;
	(tag) =	ssettag s2;
	_ =	strace s9  }
0x27: {  	s1 =	sld [smem:$0x3F95]  }
0x28: {  	s2 =	sld [smem:$0x3F96]  }
0x29: {  	s4 =	sld [smem:$0x3F98]  }
0x2a: {  	p0 =	seq.s32 s5, $0x0;
	s5 =	sld [smem:$0x3F99]  }
0x2b: {  	s6 =	sld [smem:$0x3F9A]  }
0x2c: {  	s7 =	sld [smem:$0x3F9B]  }
0x2d: {  	s3 =	simm.s32 $0x108;
	s8 =	sld [smem:$0x3F9C]  }
0x2e: {  	s3 =	simm.s32 @!p0 $0x1082;
	s9 =	sld [smem:$0x3F9D]  }
0x2f: {  	lr =	sadd.s32 s0, s3;
	s0 =	sld [smem:$0x3F94]  }
0x30: {  	s3 =	sld [smem:$0x3F97]  }
0x31: {  	[smem:$0x3FA0] =	sst s10  }
0x32: {  	s10 =	sld [smem:$0x3F9E];
	_ =	sdelay $0x3  }
0x33: {  	p0 =	seq.s32 s10, $0x1;
	s10 =	sld [smem:$0x3FA0];
	_ =	sdelay $0x3  }
0x34: {  	[smem:$0x3FA0] =	sst s10  }
0x35: {  	s10 =	sld [smem:$0x3F9F];
	_ =	sdelay $0x3  }
0x36: {  	p1 =	seq.s32 s10, $0x1;
	s10 =	sld [smem:$0x3FA0];
	_ =	sdelay $0x3  }
0x37: {  	[smem:$0x3FA0] =	sst s10  }
0x38: {  	s10 =	sld [smem:$0x3FA1]  }
0x39: {  	_ = 	snop;
	(pc) =	sbr.ind lr, $3  }
0x3a: {  	_ = 	snop  }
0x3b: {  	_ = 	snop  }
0x3c: {  	p2 =	seq.s32 s10, $0x1;
	s10 =	sld [smem:$0x3FA0]  }
0x3d: {  	_ =	shalt  }
0x3e: {  	_ =	shalt  }
0x3f: {  	_ =	shalt  }
0x40: {  	_ =	shalt  }
0x41: {  	_ =	shalt  }
0x42: {  	_ =	shalt  }
0x43: {  	_ =	shalt  }
0x44: {  	_ =	shalt  }
0x45: {  	_ =	shalt  }
0x46: {  	_ =	shalt  }
0x47: {  	_ =	shalt  }
0x48: {  	_ =	shalt  }
0x49: {  	_ =	shalt  }
0x4a: {  	_ =	shalt  }
0x4b: {  	_ =	shalt  }
0x4c: {  	_ =	shalt  }
0x4d: {  	_ =	shalt  }
0x4e: {  	_ =	shalt  }
0x4f: {  	_ =	shalt  }
0x50: {  	_ =	shalt  }
0x51: {  	_ =	shalt  }
0x52: {  	_ =	shalt  }
0x53: {  	_ =	shalt  }
0x54: {  	_ =	shalt  }
0x55: {  	_ =	shalt  }
0x56: {  	_ =	shalt  }
0x57: {  	_ =	shalt  }
0x58: {  	_ =	shalt  }
0x59: {  	_ =	shalt  }
0x5a: {  	_ =	shalt  }
0x5b: {  	_ =	shalt  }
0x5c: {  	_ =	shalt  }
0x5d: {  	_ =	shalt  }
0x5e: {  	_ =	shalt  }
0x5f: {  	_ =	shalt  }
0x60: {  	_ =	shalt  }
0x61: {  	_ =	shalt  }
0x62: {  	_ =	shalt  }
0x63: {  	_ =	shalt  }
0x64: {  	_ =	shalt  }
0x65: {  	_ =	shalt  }
0x66: {  	_ =	shalt  }
0x67: {  	_ =	shalt  }
0x68: {  	_ =	shalt  }
0x69: {  	_ =	shalt  }
0x6a: {  	_ =	shalt  }
0x6b: {  	_ =	shalt  }
0x6c: {  	_ =	shalt  }
0x6d: {  	_ =	shalt  }
0x6e: {  	_ =	shalt  }
0x6f: {  	_ =	shalt  }
0x70: {  	_ =	shalt  }
0x71: {  	_ =	shalt  }
0x72: {  	_ =	shalt  }
0x73: {  	_ =	shalt  }
0x74: {  	_ =	shalt  }
0x75: {  	_ =	shalt  }
0x76: {  	_ =	shalt  }
0x77: {  	_ =	shalt  }
0x78: {  	_ =	shalt  }
0x79: {  	_ =	shalt  }
0x7a: {  	_ =	shalt  }
0x7b: {  	_ =	shalt  }
0x7c: {  	_ =	shalt  }
0x7d: {  	_ =	shalt  }
0x7e: {  	_ =	shalt  }
0x7f: {  	_ =	shalt  }
0x80: {  	_ =	shalt  }
0x81: {  	_ =	shalt  }
0x82: {  	_ =	shalt  }
0x83: {  	_ =	shalt  }
0x84: {  	_ =	shalt  }
0x85: {  	_ =	shalt  }
0x86: {  	_ =	shalt  }
0x87: {  	_ =	shalt  }
.Lfunc_end0:
.L_simem_size_0:
called_computation.1_lowered:
.L_overlay_start_0:
0x88: {  	s2 =	sld [smem:$0x3FD9]  }
0x89: {  	s3 =	sld [smem:$0x3FFE];
	_ =	sdelay $0x1  }
0x8a: {  	s1 =	srdreg.scid  }
0x8b: {  	s0 =	sand.u32 $0x1, s1  }
0x8c: {  	s16 =	sshll.u32 s0, $0xA;
	s2 =	sadd.s32 s3, s2  }
0x8d: {  	s2 =	sadd.s32 s2, s16  }
0x8e: {  	[smem:$0x3FAC] =	sst s2  }
0x8f: {  	_ = 	snop  }
0x90: {  	(tm) =	ssettm $0x1  }
0x91: {  	s17 =	sld [smem:$0x3FFB];
	_ =	sdelay $0x3  }
0x92: {  	_ =	strace s17  }
0x93: {  	s2 =	sld [smem:$0x3FFC];
	_ =	sdelay $0x3  }
0x94: {  	_ =	strace s2  }
0x95: {  	s2 =	sld [smem:$0x3FFD];
	_ =	sdelay $0x3  }
0x96: {  	_ =	strace s2  }
0x97: {  	_ =	strace $0x8FFFFFFF  }
0x98: {  	s18 =	sld [smem:$0x3FDB];
	_ =	sdelay $0x1  }
0x99: {  	s19 =	simm.s32 $_scs_section_size  }
0x9a: {  	s4 =	simm.s32 $_size__tile_overlayer_lowered;
	s5 =	simm.s32 $_tile_overlayer_lowered  }
0x9b: {  	s22 =	simm.s32 $0x1BFF;
	s21 =	sshll.u32 s5, $0x1;
	s2 =	sadd.s32 s19, s18  }
0x9c: {  	s6 =	simm.s32 $0x0;
	s20 =	sshll.u32 s4, $0x1;
	s4 =	sadd.s32 s21, s2  }
0x9d: {  	[timem:s6], [sflag:s22] =	dma.local [hbm:s4], s20  }
0x9e: {  	_ =	swait.ge [sflag:s22], s20  }
0x9f: {  	s3 =	ssub.s32 $0x0, s20;
	[sflag:s22] =	ssyncset.done $0x0  }
0xa0: {  	[sflag:s22] =	ssyncadd.s32 s3;
	_ =	sdelay $0x1  }
0xa1: {  	s23 =	simm.s32 $0x1B8B  }
0xa2: {  	_ =	swait.ge [sflag:s23], $0x1  }
0xa3: {  	[sflag:s23] =	ssyncset.done $0x0  }
0xa4: {  	s25 =	simm.s32 $0x1B8E;
	s24 =	sld [smem:$0x3FFE];
	[sflag:s23] =	ssyncadd.s32 $0xFFFFFFFF  }
0xa5: {  	s26 =	simm.s32 $execute0_lowered;
	[smem:$0x3FD2] =	sst s25  }
0xa6: {  	s4 =	sshll.u32 s26, $0x1;
	_ =	strace $0x80000049;
	[dreg:$0x1] =	wrdreg $0xFFFFFFFF  }
0xa7: {  	s28 =	simm.s32 $_size_execute0_lowered;
	s2 =	sadd.s32 s2, s4;
	[dreg:$0x0] =	wrdreg $0x0  }
0xa8: {  	s4 =	sshll.u32 s28, $0x1;
	[dreg:$0x2] =	wrdreg s2  }
0xa9: {  	[dreg:$0x3] =	wrdreg s4  }
0xaa: {  	[dreg:$0x4] =	wrdreg $0xC0  }
0xab: {  	_ =	task [dreg:s6], $0x5FFFF  }
0xac: {  	[dreg:$0x1] =	wrdreg $0xFFFFFFFF  }
0xad: {  	[dreg:$0x0] =	wrdreg $0x60  }
0xae: {  	[dreg:$0x2] =	wrdreg s24  }
0xaf: {  	[dreg:$0x3] =	wrdreg $0x9  }
0xb0: {  	_ =	task.clear_ibuf [dreg:s6], $0x4FFFF;
	_ =	strace $0x90000049  }
0xb1: {  	s29 =	simm.s32 $0x9;
	_ =	strace $0x8000004B  }
0xb2: {  	_ =	swait.ge [sflag:s29], $0x1  }
0xb3: {  	[sflag:s29] =	ssyncadd.s32 $0xFFFFFFFF  }
0xb4: {  	_ =	strace $0x9000004B  }
0xb5: {  	_ =	sfence  }
0xb6: {  	s30 =	sld [smem:$0x0];
	_ =	sdelay $0x2  }
0xb7: {  	s31 =	sshll.u32 s1, $0xD;
	s1 =	sshrl.u32 s1, $0x2  }
0xb8: {  	s3 =	sand.u32 $0x4000, s31;
	s1 =	sadd.s32 s1, s30  }
0xb9: {  	s0 =	sor.u32 s3, s0;
	s1 =	sshll.u32 s1, $0x11  }
0xba: {  	s0 =	sor.u32 s1, s0  }
0xbb: {  	s0 =	sadd.s32 $0x8F2B, s0  }
0xbc: {  	[sflag:s0] =	ssyncadd.remote.s32 $0x1  }
0xbd: {  	_ =	sfence.sel $0xFFFF  }
0xbe: {  	[dreg:$0x0] =	wrdreg $0xFFFFFFFF;
	(pc) =	sbr.abs _section_cstart, $3  }
0xbf: {  	[dreg:$0x1] =	wrdreg $0xFFFFFFFF  }
0xc0: {  	_ =	task.clear_ibuf [dreg:s6], $0x2FFFF;
	_ =	strace $0x9FFFFFFF  }
0xc1: {  	(tm) =	ssettm $0x7FFFFFFF  }
tec
execute0_lowered:
.L_overlay_start_1:
0x0: {  	(tag) =	ssettag $0x1  }
0x1: {  	s1 =	srdreg.scid;
	s0 =	stileid.u32  }
0x2: {  	s4 =	rddreg [dreg:$0x0];
	s2 =	simm.s32 $0x0;
	s11 =	simm.s32 $0x4  }
0x3: {  	s12 =	simm.s32 $0x0;
	s5 =	sand.u32 $0x1, s1;
	s1 =	rddreg [dreg:$0x1]  }
0x4: {  	s3 =	sshll.u32 s0, $0x1;
	[smem:$0x7FF] =	sst s2;
	s29 =	smul.u32 $0xC3500, s0  }
0x5: {  	s10 =	sadd.s32 $0x1A0FA00, s4;
	s6 =	sor.u32 s5, s3;
	s30 =	smul.u32 $0x61A80, s5  }
0x6: {  	_ =	strace $0x8000004A;
	s8 =	ssub.s32 $0x2, s5;
	s7 =	smul.u32 $0x61A8, s6  }
0x7: {  	s3 =	sadd.s32 $0x1A5200, s4;
	s9 =	sshrl.u32 s8, $0x1;
	s6 =	smul.u32 $0x61A80, s6  }
0x8: {  	s31 =	sadd.s32 s29, s10;
	s8 =	ssub.s32 s8, s9;
	s9 =	simm.s32 $0x6200  }
0x9: {  	s7 =	sshrl.u32 s7, $0x3;
	s6 =	sadd.s32 s10, s6;
	s5 =	smax.u32 s8, $0x1  }
0xa: {  	s8 =	simm.s32 $0x3;
	s10 =	simm.s32 $0x1;
	s7 =	sadd.s32 s7, s4  }
0xb: {  	s6 =	sadd.s32 $0x60E00, s6;
	s4 =	sadd.s32 $0x5E00, s7;
	s7 =	sadd.s32 s30, s31  }
.LBB2_1:
0xc: {  	[tilespmem:s2], [sflag:$0x3] =	stream.linear.gather [hbm4b:s4+s2], $0x61A8, $0x38;
	[tilespmem:$0x12A00] =	vst v63  }
0xd: {  	s14 =	sand.u32 $0x1, s2;
	_ =	swait.ge [sflag:s8], $0x61A8  }
0xe: {  	p0 =	seq.s32 s14, $0x1;
	[sflag:s8] =	ssyncset.done $0x0  }
0xf: {  	s13 =	simm.s32 $0xC8;
	s14 =	simm.s32 @p0 $0x2;
	[sflag:s8] =	ssyncadd.s32 $0xFFFF9E58  }
0x10: {  	[tilespmem:s9], [sflag:$0x1] =	stream.indirect.gather [hbm4b:s3+s13], $0x80, s2, s13, $0xb8;
	[tilespmem:$0x12A00] =	vst v63  }
0x11: {  	_ =	swait.ge @p0 [sflag:s14], $0x6400  }
0x12: {  	[sflag:s14] =	ssyncset.done @p0 $0x0  }
0x13: {  	s15 =	simm.s32 @p0 $0x6200;
	[sflag:s14] =	ssyncadd.s32 @p0 $0xFFFF9C00;
	s14 =	simm.s32 @p0 $0xC8  }
0x14: {  	[tilespmem:s15], [sflag:$0x1] =	stream.indirect.gather @p0 [hbm4b:s3+s14], $0x80, s13, s14, $0xb8;
	[tilespmem:$0x12A00] =	vst v63  }
0x15: {  	s16 =	simm.s32 @!p0 $0x1;
	s14 =	simm.s32 @p0 $0x0;
	s15 =	simm.s32 @p0 $0xC600  }
0x16: {  	[hbm4b:s7+s14] =	stream.linear.scatter @p0 [tilespmem:s15], [sflag:$0x3], $0x6400, $0x38;
	[tilespmem:$0x12A00] =	vst v63  }
0x17: {  	_ =	swait.ge @!p0 [sflag:s16], $0x6400  }
0x18: {  	s31 =	simm.s32 $0x1;
	s17 =	simm.s32 @!p0 $0xC600;
	[sflag:s16] =	ssyncset.done @!p0 $0x0  }
0x19: {  	s15 =	simm.s32 @!p0 $0x4;
	[sflag:s16] =	ssyncadd.s32 @!p0 $0xFFFF9C00;
	s16 =	simm.s32 @!p0 $0xC8  }
0x1a: {  	[tilespmem:s17], [sflag:$0x2] =	stream.indirect.gather @!p0 [hbm4b:s3+s16], $0x80, s13, s16, $0xb8;
	[tilespmem:$0x12A00] =	vst v63  }
0x1b: {  	s15 =	simm.s32 @p0 $0x3;
	s13 =	simm.s32 @!p0 $0x0;
	s16 =	simm.s32 @!p0 $0x6200  }
0x1c: {  	[hbm4b:s7+s13] =	stream.linear.scatter @!p0 [tilespmem:s16], [sflag:$0x4], $0x6400, $0x38;
	[tilespmem:$0x12A00] =	vst v63  }
0x1d: {  	s14 =	simm.s32 $0x190;
	s17 =	sand.u32 $0x1, s31;
	_ =	swait.ge [sflag:s15], $0x6400  }
0x1e: {  	s16 =	simm.s32 $0x2;
	s13 =	sadd.s32 $0xC80, s7;
	[sflag:s15] =	ssyncset.done $0x0  }
.LBB2_2:
0x1f: {  	p1 =	seq.s32 s17, $0x1  }
0x20: {  	[sflag:s15] =	ssyncadd.s32 $0xFFFF9C00;
	s17 =	smov.u32 s16;
	s16 =	sadd.s32 $0x1, s16  }
0x21: {  	p0 =	sne.s32 s16, $0x7C;
	s18 =	simm.s32 @p1 $0x2;
	s15 =	simm.s32 @!p1 $0x4  }
0x22: {  	_ =	swait.ge @p1 [sflag:s18], $0x6400  }
0x23: {  	[sflag:s18] =	ssyncset.done @p1 $0x0  }
0x24: {  	s19 =	simm.s32 @p1 $0x6200;
	[sflag:s18] =	ssyncadd.s32 @p1 $0xFFFF9C00;
	s18 =	simm.s32 @p1 $0xC8  }
0x25: {  	[tilespmem:s19], [sflag:$0x1] =	stream.indirect.gather @p1 [hbm4b:s3+s18], $0x80, s14, s18, $0xb8;
	[tilespmem:$0x12A00] =	vst v63  }
0x26: {  	s20 =	simm.s32 @!p1 $0x1;
	s18 =	simm.s32 @p1 $0x0;
	s19 =	simm.s32 @p1 $0xC600  }
0x27: {  	[hbm4b:s13+s18] =	stream.linear.scatter @p1 [tilespmem:s19], [sflag:$0x3], $0x6400, $0x38;
	[tilespmem:$0x12A00] =	vst v63  }
0x28: {  	_ =	swait.ge @!p1 [sflag:s20], $0x6400  }
0x29: {  	[sflag:s20] =	ssyncset.done @!p1 $0x0  }
0x2a: {  	s18 =	simm.s32 @!p1 $0xC8;
	s19 =	simm.s32 @!p1 $0xC600;
	[sflag:s20] =	ssyncadd.s32 @!p1 $0xFFFF9C00  }
0x2b: {  	[tilespmem:s19], [sflag:$0x2] =	stream.indirect.gather @!p1 [hbm4b:s3+s18], $0x80, s14, s18, $0xb8;
	[tilespmem:$0x12A00] =	vst v63  }
.Ltmp0:
0x2c: {  	_ = 	snop;
	(pc) =	sbr.rel @p0 .LBB2_2-.Ltmp0, $4  }
0x2d: {  	s15 =	simm.s32 @p1 $0x3;
	s18 =	simm.s32 @!p1 $0x0;
	s19 =	simm.s32 @!p1 $0x6200  }
0x2e: {  	[hbm4b:s13+s18] =	stream.linear.scatter @!p1 [tilespmem:s19], [sflag:$0x4], $0x6400, $0x38;
	[tilespmem:$0x12A00] =	vst v63  }
0x2f: {  	s13 =	sadd.s32 $0xC80, s13;
	_ =	swait.ge [sflag:s15], $0x6400  }
0x30: {  	s17 =	sand.u32 $0x1, s17;
	s14 =	sadd.s32 $0xC8, s14;
	[sflag:s15] =	ssyncset.done $0x0  }
0x31: {  	p0 =	seq.s32 s17, $0x1  }
0x32: {  	[sflag:s15] =	ssyncadd.s32 $0xFFFF9C00;
	s15 =	simm.s32 @p0 $0x2  }
0x33: {  	_ =	swait.ge @p0 [sflag:s15], $0x6400  }
0x34: {  	[sflag:s15] =	ssyncset.done @p0 $0x0  }
0x35: {  	s16 =	simm.s32 @p0 $0x6200;
	[sflag:s15] =	ssyncadd.s32 @p0 $0xFFFF9C00;
	s15 =	simm.s32 @p0 $0xC8  }
0x36: {  	[tilespmem:s16], [sflag:$0x1] =	stream.indirect.gather @p0 [hbm4b:s3+s15], $0x80, s14, s15, $0xb8;
	[tilespmem:$0x12A00] =	vst v63  }
0x37: {  	s17 =	simm.s32 @!p0 $0x1;
	s15 =	simm.s32 @p0 $0x0;
	s16 =	simm.s32 @p0 $0xC600  }
0x38: {  	[hbm4b:s13+s15] =	stream.linear.scatter @p0 [tilespmem:s16], [sflag:$0x3], $0x6400, $0x38;
	[tilespmem:$0x12A00] =	vst v63  }
0x39: {  	_ =	swait.ge @!p0 [sflag:s17], $0x6400  }
0x3a: {  	s15 =	simm.s32 @!p0 $0x4;
	[sflag:s17] =	ssyncset.done @!p0 $0x0  }
0x3b: {  	s16 =	simm.s32 @!p0 $0xC8;
	[sflag:s17] =	ssyncadd.s32 @!p0 $0xFFFF9C00;
	s17 =	simm.s32 @!p0 $0xC600  }
0x3c: {  	[tilespmem:s17], [sflag:$0x2] =	stream.indirect.gather @!p0 [hbm4b:s3+s16], $0x80, s14, s16, $0xb8;
	[tilespmem:$0x12A00] =	vst v63  }
0x3d: {  	s15 =	simm.s32 @p0 $0x3;
	s14 =	simm.s32 @!p0 $0x0;
	s16 =	simm.s32 @!p0 $0x6200  }
0x3e: {  	[hbm4b:s13+s14] =	stream.linear.scatter @!p0 [tilespmem:s16], [sflag:$0x4], $0x6400, $0x38;
	[tilespmem:$0x12A00] =	vst v63  }
0x3f: {  	_ =	swait.ge [sflag:s15], $0x6400  }
0x40: {  	[sflag:s15] =	ssyncset.done $0x0  }
0x41: {  	[sflag:s15] =	ssyncadd.s32 $0xFFFF9C00  }
0x42: {  	s12 =	sadd.s32 $0x1, s12;
	_ =	swait.ge [sflag:s10], $0x6400  }
0x43: {  	p0 =	sne.s32 s12, s5;
	[sflag:s10] =	ssyncset.done $0x0  }
.Ltmp1:
0x44: {  	[sflag:s10] =	ssyncadd.s32 $0xFFFF9C00;
	(pc) =	sbr.rel @p0 .LBB2_1-.Ltmp1, $4  }
0x45: {  	[hbm4b:s6+s2] =	stream.linear.scatter [tilespmem:s9], [sflag:$0x4], $0x6400, $0x38;
	[tilespmem:$0x12A00] =	vst v63  }
0x46: {  	_ =	swait.ge [sflag:s11], $0x6400  }
0x47: {  	[sflag:s11] =	ssyncset.done $0x0  }
0x48: {  	[sflag:s11] =	ssyncadd.s32 $0xFFFF9C00  }
0x49: {  	_ =	sfence.sel $0x180000  }
0x4a: {  	[bflag:$0x0] =	sbarrier.arrive $0xFFFF  }
0x4b: {  	p0 =	sne.s32 s0, $0x0;
	_ =	strace $0x9000004A  }
0x4c: {  	s0 =	sadd.s32 @!p0 $0x100000, s1;
	[bflag:$0x2] =	sbarrier.arrive $0xFFFF  }
0x4d: {  	[sflag:s0] =	ssyncadd.tile.s32 @!p0 $0x1;
	_ =	shalt  }
.Lfunc_end2:
_tile_overlayer_lowered:
.L_overlay_start_2:
0x4e: {  	(tag) =	ssettag $0x2  }
0x4f: {  	s0 =	rddreg [dreg:$0x0];
	s2 =	stileid.u32  }
0x50: {  	s1 =	rddreg [dreg:$0x1];
	p0 =	sne.s32 s2, $0x0  }
0x51: {  	s3 =	rddreg [dreg:$0x2];
	[bflag:$0x3] =	sbarrier.arrive $0xFFFF;
	s2 =	simm.s32 @!p0 $0x1C03  }
0x52: {  	[timem:s3], [sflag:s2] =	dma.local @!p0 [hbm:s0], s1  }
0x53: {  	s0 =	simm.s32 @!p0 $0x3  }
0x54: {  	_ =	swait.ge @!p0 [sflag:s0], s1  }
0x55: {  	s1 =	ssub.s32 @!p0 $0x0, s1;
	[sflag:s0] =	ssyncset.done @!p0 $0x0  }
0x56: {  	[sflag:s0] =	ssyncadd.s32 @!p0 s1  }
0x57: {  	[bflag:$0x3] =	sbarrier.arrive $0xFFFF  }
0x58: {  	_ =	shalt  }

// kernel: kernel.22.cloned.1.call-start
scs
__scs_entry_jumppad:
0x0: {  	(pc) =	sbr.rel $0x88, $3  }
0x1: {  	(tag) =	ssettag $0x0;
	lr =	simm.s32 $0x1  }
0x2: {  	[smem:$0x3F85] =	sst lr;
	_ =	strace $0xD0000000  }
0x3: {  	_ = 	snop  }
0x4: {  	_ = 	snop  }
0x5: {  	_ = 	snop  }
0x6: {  	_ = 	snop  }
0x7: {  	_ = 	snop  }
__scs_overlays_trampoline_lowered:
0x8: {  	[smem:$0x3F94] =	sst s0  }
0x9: {  	[smem:$0x3F95] =	sst s1  }
0xa: {  	[smem:$0x3F96] =	sst s2  }
0xb: {  	[smem:$0x3F97] =	sst s3  }
0xc: {  	[smem:$0x3F98] =	sst s4  }
0xd: {  	[smem:$0x3F99] =	sst s5  }
0xe: {  	[smem:$0x3F9A] =	sst s6  }
0xf: {  	[smem:$0x3F9B] =	sst s7  }
0x10: {  	[smem:$0x3F9C] =	sst s8  }
0x11: {  	[smem:$0x3F9D] =	sst s9;
	s0 =	simm.s32 @!p0 $0x0  }
0x12: {  	s1 =	sld [smem:$0x3F83];
	s0 =	simm.s32 @p0 $0x1  }
0x13: {  	[smem:$0x3F9E] =	sst s0;
	s0 =	simm.s32 @!p1 $0x0  }
0x14: {  	s2 =	sld [smem:$0x3F82];
	s0 =	simm.s32 @p1 $0x1  }
0x15: {  	[smem:$0x3F9F] =	sst s0;
	s0 =	simm.s32 @!p2 $0x0  }
0x16: {  	s3 =	sld [smem:$0x3FDB];
	s0 =	simm.s32 @p2 $0x1  }
0x17: {  	s4 =	simm.s32 $0x1BF5;
	[smem:$0x3FA1] =	sst s0  }
0x18: {  	s0 =	sld [smem:$0x3F84];
	_ =	swait.ge [sflag:s4], $0x0  }
0x19: {  	s7 =	sld [smem:$0x3F85]  }
0x1a: {  	s8 =	sadd.s32 $0xFFFFE003, lr  }
0x1b: {  	s9 =	sadd.s32 $0xFFFFFEF7, lr;
	s5 =	simm.s32 $0xFFFFFFFF;
	p2 =	slt.u32 s8, $0xFFFFF086  }
0x1c: {  	p1 =	slt.u32 s9, $0xF7A;
	s5 =	simm.s32 @!p2 $0x0  }
0x1d: {  	s5 =	simm.s32 @p1 $0x1;
	p0 =	seq.s32 s7, s2  }
0x1e: {  	s7 =	smul.u32 @!p0 $0xF7A, s2;
	p2 =	seq.s32 @!p0 s5, $0x0  }
0x1f: {  	s9 =	smul.u32 $0xF7A, s1;
	s8 =	simm.s32 @!p0 $0x1BF5;
	p2 =	por !p2, p0  }
0x20: {  	[sflag:s8] =	ssyncset.s32 @!p0 $0xFFFFF086;
	s6 =	sadd.s32 @!p0 s3, s7;
	s7 =	simm.s32 @!p0 $0x108  }
0x21: {  	s3 =	sadd.s32 s3, s9;
	s6 =	sadd.s32 @!p0 $0x88, s6;
	s7 =	simm.s32 @p2 $0x1082  }
0x22: {  	[simem:s7], [sflag:s8] =	dma.local @!p0 [hbm:s6], $0xF7A  }
0x23: {  	s9 =	sor.u32 $0xD0000000, s2;
	s6 =	simm.s32 $0x108;
	_ =	swait.ge @!p0 [sflag:s8], $0x0  }
0x24: {  	s3 =	sadd.s32 $0x88, s3;
	s6 =	simm.s32 @!p1 $0x1082;
	[sflag:s4] =	ssyncset.s32 $0xFFFFF086  }
0x25: {  	[simem:s6], [sflag:s4] =	dma.local [hbm:s3], $0xF7A  }
0x26: {  	[smem:$0x3F85] =	sst s1;
	(tag) =	ssettag s2;
	_ =	strace s9  }
0x27: {  	s1 =	sld [smem:$0x3F95]  }
0x28: {  	s2 =	sld [smem:$0x3F96]  }
0x29: {  	s4 =	sld [smem:$0x3F98]  }
0x2a: {  	p0 =	seq.s32 s5, $0x0;
	s5 =	sld [smem:$0x3F99]  }
0x2b: {  	s6 =	sld [smem:$0x3F9A]  }
0x2c: {  	s7 =	sld [smem:$0x3F9B]  }
0x2d: {  	s3 =	simm.s32 $0x108;
	s8 =	sld [smem:$0x3F9C]  }
0x2e: {  	s3 =	simm.s32 @!p0 $0x1082;
	s9 =	sld [smem:$0x3F9D]  }
0x2f: {  	lr =	sadd.s32 s0, s3;
	s0 =	sld [smem:$0x3F94]  }
0x30: {  	s3 =	sld [smem:$0x3F97]  }
0x31: {  	[smem:$0x3FA0] =	sst s10  }
0x32: {  	s10 =	sld [smem:$0x3F9E];
	_ =	sdelay $0x3  }
0x33: {  	p0 =	seq.s32 s10, $0x1;
	s10 =	sld [smem:$0x3FA0];
	_ =	sdelay $0x3  }
0x34: {  	[smem:$0x3FA0] =	sst s10  }
0x35: {  	s10 =	sld [smem:$0x3F9F];
	_ =	sdelay $0x3  }
0x36: {  	p1 =	seq.s32 s10, $0x1;
	s10 =	sld [smem:$0x3FA0];
	_ =	sdelay $0x3  }
0x37: {  	[smem:$0x3FA0] =	sst s10  }
0x38: {  	s10 =	sld [smem:$0x3FA1]  }
0x39: {  	_ = 	snop;
	(pc) =	sbr.ind lr, $3  }
0x3a: {  	_ = 	snop  }
0x3b: {  	_ = 	snop  }
0x3c: {  	p2 =	seq.s32 s10, $0x1;
	s10 =	sld [smem:$0x3FA0]  }
0x3d: {  	_ =	shalt  }
0x3e: {  	_ =	shalt  }
0x3f: {  	_ =	shalt  }
0x40: {  	_ =	shalt  }
0x41: {  	_ =	shalt  }
0x42: {  	_ =	shalt  }
0x43: {  	_ =	shalt  }
0x44: {  	_ =	shalt  }
0x45: {  	_ =	shalt  }
0x46: {  	_ =	shalt  }
0x47: {  	_ =	shalt  }
0x48: {  	_ =	shalt  }
0x49: {  	_ =	shalt  }
0x4a: {  	_ =	shalt  }
0x4b: {  	_ =	shalt  }
0x4c: {  	_ =	shalt  }
0x4d: {  	_ =	shalt  }
0x4e: {  	_ =	shalt  }
0x4f: {  	_ =	shalt  }
0x50: {  	_ =	shalt  }
0x51: {  	_ =	shalt  }
0x52: {  	_ =	shalt  }
0x53: {  	_ =	shalt  }
0x54: {  	_ =	shalt  }
0x55: {  	_ =	shalt  }
0x56: {  	_ =	shalt  }
0x57: {  	_ =	shalt  }
0x58: {  	_ =	shalt  }
0x59: {  	_ =	shalt  }
0x5a: {  	_ =	shalt  }
0x5b: {  	_ =	shalt  }
0x5c: {  	_ =	shalt  }
0x5d: {  	_ =	shalt  }
0x5e: {  	_ =	shalt  }
0x5f: {  	_ =	shalt  }
0x60: {  	_ =	shalt  }
0x61: {  	_ =	shalt  }
0x62: {  	_ =	shalt  }
0x63: {  	_ =	shalt  }
0x64: {  	_ =	shalt  }
0x65: {  	_ =	shalt  }
0x66: {  	_ =	shalt  }
0x67: {  	_ =	shalt  }
0x68: {  	_ =	shalt  }
0x69: {  	_ =	shalt  }
0x6a: {  	_ =	shalt  }
0x6b: {  	_ =	shalt  }
0x6c: {  	_ =	shalt  }
0x6d: {  	_ =	shalt  }
0x6e: {  	_ =	shalt  }
0x6f: {  	_ =	shalt  }
0x70: {  	_ =	shalt  }
0x71: {  	_ =	shalt  }
0x72: {  	_ =	shalt  }
0x73: {  	_ =	shalt  }
0x74: {  	_ =	shalt  }
0x75: {  	_ =	shalt  }
0x76: {  	_ =	shalt  }
0x77: {  	_ =	shalt  }
0x78: {  	_ =	shalt  }
0x79: {  	_ =	shalt  }
0x7a: {  	_ =	shalt  }
0x7b: {  	_ =	shalt  }
0x7c: {  	_ =	shalt  }
0x7d: {  	_ =	shalt  }
0x7e: {  	_ =	shalt  }
0x7f: {  	_ =	shalt  }
0x80: {  	_ =	shalt  }
0x81: {  	_ =	shalt  }
0x82: {  	_ =	shalt  }
0x83: {  	_ =	shalt  }
0x84: {  	_ =	shalt  }
0x85: {  	_ =	shalt  }
0x86: {  	_ =	shalt  }
0x87: {  	_ =	shalt  }
.Lfunc_end0:
.L_simem_size_0:
called_computation.2_lowered:
.L_overlay_start_0:
0x88: {  	s2 =	sld [smem:$0x3FD9]  }
0x89: {  	s3 =	sld [smem:$0x3FFE];
	_ =	sdelay $0x1  }
0x8a: {  	s1 =	srdreg.scid  }
0x8b: {  	s0 =	sand.u32 $0x1, s1  }
0x8c: {  	s16 =	sshll.u32 s0, $0xA;
	s2 =	sadd.s32 s3, s2  }
0x8d: {  	s2 =	sadd.s32 s2, s16  }
0x8e: {  	[smem:$0x3FAC] =	sst s2  }
0x8f: {  	_ = 	snop  }
0x90: {  	(tm) =	ssettm $0x1  }
0x91: {  	s17 =	sld [smem:$0x3FFB];
	_ =	sdelay $0x3  }
0x92: {  	_ =	strace s17  }
0x93: {  	s2 =	sld [smem:$0x3FFC];
	_ =	sdelay $0x3  }
0x94: {  	_ =	strace s2  }
0x95: {  	s2 =	sld [smem:$0x3FFD];
	_ =	sdelay $0x3  }
0x96: {  	_ =	strace s2  }
0x97: {  	_ =	strace $0x8FFFFFFF  }
0x98: {  	s18 =	sld [smem:$0x3FDB];
	_ =	sdelay $0x1  }
0x99: {  	s19 =	simm.s32 $_scs_section_size  }
0x9a: {  	s4 =	simm.s32 $_size__tile_overlayer_lowered;
	s5 =	simm.s32 $_tile_overlayer_lowered  }
0x9b: {  	s22 =	simm.s32 $0x1BFF;
	s21 =	sshll.u32 s5, $0x1;
	s2 =	sadd.s32 s19, s18  }
0x9c: {  	s6 =	simm.s32 $0x0;
	s20 =	sshll.u32 s4, $0x1;
	s4 =	sadd.s32 s21, s2  }
0x9d: {  	[timem:s6], [sflag:s22] =	dma.local [hbm:s4], s20  }
0x9e: {  	_ =	swait.ge [sflag:s22], s20  }
0x9f: {  	s3 =	ssub.s32 $0x0, s20;
	[sflag:s22] =	ssyncset.done $0x0  }
0xa0: {  	[sflag:s22] =	ssyncadd.s32 s3;
	_ =	sdelay $0x1  }
0xa1: {  	s23 =	simm.s32 $0x1B8B  }
0xa2: {  	_ =	swait.ge [sflag:s23], $0x1  }
0xa3: {  	[sflag:s23] =	ssyncset.done $0x0  }
0xa4: {  	s25 =	simm.s32 $0x1B8E;
	s24 =	sld [smem:$0x3FFE];
	[sflag:s23] =	ssyncadd.s32 $0xFFFFFFFF  }
0xa5: {  	s26 =	simm.s32 $execute0_lowered;
	[smem:$0x3FD2] =	sst s25  }
0xa6: {  	s4 =	sshll.u32 s26, $0x1;
	_ =	strace $0x8000004C;
	[dreg:$0x1] =	wrdreg $0xFFFFFFFF  }
0xa7: {  	s28 =	simm.s32 $_size_execute0_lowered;
	s2 =	sadd.s32 s2, s4;
	[dreg:$0x0] =	wrdreg $0x0  }
0xa8: {  	s4 =	sshll.u32 s28, $0x1;
	[dreg:$0x2] =	wrdreg s2  }
0xa9: {  	[dreg:$0x3] =	wrdreg s4  }
0xaa: {  	[dreg:$0x4] =	wrdreg $0xC0  }
0xab: {  	_ =	task [dreg:s6], $0x5FFFF  }
0xac: {  	[dreg:$0x1] =	wrdreg $0xFFFFFFFF  }
0xad: {  	[dreg:$0x0] =	wrdreg $0x60  }
0xae: {  	[dreg:$0x2] =	wrdreg s24  }
0xaf: {  	[dreg:$0x3] =	wrdreg $0x9  }
0xb0: {  	_ =	task.clear_ibuf [dreg:s6], $0x4FFFF;
	_ =	strace $0x9000004C  }
0xb1: {  	s29 =	simm.s32 $0x9;
	_ =	strace $0x8000004E  }
0xb2: {  	_ =	swait.ge [sflag:s29], $0x1  }
0xb3: {  	[sflag:s29] =	ssyncadd.s32 $0xFFFFFFFF  }
0xb4: {  	_ =	strace $0x9000004E  }
0xb5: {  	_ =	sfence  }
0xb6: {  	s30 =	sld [smem:$0x0];
	_ =	sdelay $0x2  }
0xb7: {  	s31 =	sshll.u32 s1, $0xD;
	s1 =	sshrl.u32 s1, $0x2  }
0xb8: {  	s3 =	sand.u32 $0x4000, s31;
	s1 =	sadd.s32 s1, s30  }
0xb9: {  	s0 =	sor.u32 s3, s0;
	s1 =	sshll.u32 s1, $0x11  }
0xba: {  	s0 =	sor.u32 s1, s0  }
0xbb: {  	s0 =	sadd.s32 $0x8F2B, s0  }
0xbc: {  	[sflag:s0] =	ssyncadd.remote.s32 $0x1  }
0xbd: {  	_ =	sfence.sel $0xFFFF  }
0xbe: {  	[dreg:$0x0] =	wrdreg $0xFFFFFFFF;
	(pc) =	sbr.abs _section_cstart, $3  }
0xbf: {  	[dreg:$0x1] =	wrdreg $0xFFFFFFFF  }
0xc0: {  	_ =	task.clear_ibuf [dreg:s6], $0x2FFFF;
	_ =	strace $0x9FFFFFFF  }
0xc1: {  	(tm) =	ssettm $0x7FFFFFFF  }
tec
execute0_lowered:
.L_overlay_start_1:
0x0: {  	(tag) =	ssettag $0x1  }
0x1: {  	s1 =	srdreg.scid;
	s0 =	stileid.u32  }
0x2: {  	s4 =	rddreg [dreg:$0x0];
	s2 =	simm.s32 $0x0;
	s11 =	simm.s32 $0x4  }
0x3: {  	s12 =	simm.s32 $0x0;
	s5 =	sand.u32 $0x1, s1;
	s1 =	rddreg [dreg:$0x1]  }
0x4: {  	s3 =	sshll.u32 s0, $0x1;
	[smem:$0x7FF] =	sst s2;
	s29 =	smul.u32 $0xC3500, s0  }
0x5: {  	s10 =	sadd.s32 $0x1A0F600, s4;
	s6 =	sor.u32 s5, s3;
	s30 =	smul.u32 $0x61A80, s5  }
0x6: {  	_ =	strace $0x8000004D;
	s8 =	ssub.s32 $0x2, s5;
	s7 =	smul.u32 $0x61A8, s6  }
0x7: {  	s3 =	sadd.s32 $0xE1C00, s4;
	s9 =	sshrl.u32 s8, $0x1;
	s6 =	smul.u32 $0x61A80, s6  }
0x8: {  	s31 =	sadd.s32 s29, s10;
	s8 =	ssub.s32 s8, s9;
	s9 =	simm.s32 $0x6200  }
0x9: {  	s7 =	sshrl.u32 s7, $0x3;
	s6 =	sadd.s32 s10, s6;
	s5 =	smax.u32 s8, $0x1  }
0xa: {  	s8 =	simm.s32 $0x3;
	s10 =	simm.s32 $0x1;
	s7 =	sadd.s32 s7, s4  }
0xb: {  	s6 =	sadd.s32 $0x60E00, s6;
	s4 =	sadd.s32 $0x5E00, s7;
	s7 =	sadd.s32 s30, s31  }
.LBB2_1:
0xc: {  	[tilespmem:s2], [sflag:$0x3] =	stream.linear.gather [hbm4b:s4+s2], $0x61A8, $0x38;
	[tilespmem:$0x12A00] =	vst v63  }
0xd: {  	s14 =	sand.u32 $0x1, s2;
	_ =	swait.ge [sflag:s8], $0x61A8  }
0xe: {  	p0 =	seq.s32 s14, $0x1;
	[sflag:s8] =	ssyncset.done $0x0  }
0xf: {  	s13 =	simm.s32 $0xC8;
	s14 =	simm.s32 @p0 $0x2;
	[sflag:s8] =	ssyncadd.s32 $0xFFFF9E58  }
0x10: {  	[tilespmem:s9], [sflag:$0x1] =	stream.indirect.gather [hbm4b:s3+s13], $0x80, s2, s13, $0xb8;
	[tilespmem:$0x12A00] =	vst v63  }
0x11: {  	_ =	swait.ge @p0 [sflag:s14], $0x6400  }
0x12: {  	[sflag:s14] =	ssyncset.done @p0 $0x0  }
0x13: {  	s15 =	simm.s32 @p0 $0x6200;
	[sflag:s14] =	ssyncadd.s32 @p0 $0xFFFF9C00;
	s14 =	simm.s32 @p0 $0xC8  }
0x14: {  	[tilespmem:s15], [sflag:$0x1] =	stream.indirect.gather @p0 [hbm4b:s3+s14], $0x80, s13, s14, $0xb8;
	[tilespmem:$0x12A00] =	vst v63  }
0x15: {  	s16 =	simm.s32 @!p0 $0x1;
	s14 =	simm.s32 @p0 $0x0;
	s15 =	simm.s32 @p0 $0xC600  }
0x16: {  	[hbm4b:s7+s14] =	stream.linear.scatter @p0 [tilespmem:s15], [sflag:$0x3], $0x6400, $0x38;
	[tilespmem:$0x12A00] =	vst v63  }
0x17: {  	_ =	swait.ge @!p0 [sflag:s16], $0x6400  }
0x18: {  	s31 =	simm.s32 $0x1;
	s17 =	simm.s32 @!p0 $0xC600;
	[sflag:s16] =	ssyncset.done @!p0 $0x0  }
0x19: {  	s15 =	simm.s32 @!p0 $0x4;
	[sflag:s16] =	ssyncadd.s32 @!p0 $0xFFFF9C00;
	s16 =	simm.s32 @!p0 $0xC8  }
0x1a: {  	[tilespmem:s17], [sflag:$0x2] =	stream.indirect.gather @!p0 [hbm4b:s3+s16], $0x80, s13, s16, $0xb8;
	[tilespmem:$0x12A00] =	vst v63  }
0x1b: {  	s15 =	simm.s32 @p0 $0x3;
	s13 =	simm.s32 @!p0 $0x0;
	s16 =	simm.s32 @!p0 $0x6200  }
0x1c: {  	[hbm4b:s7+s13] =	stream.linear.scatter @!p0 [tilespmem:s16], [sflag:$0x4], $0x6400, $0x38;
	[tilespmem:$0x12A00] =	vst v63  }
0x1d: {  	s14 =	simm.s32 $0x190;
	s17 =	sand.u32 $0x1, s31;
	_ =	swait.ge [sflag:s15], $0x6400  }
0x1e: {  	s16 =	simm.s32 $0x2;
	s13 =	sadd.s32 $0xC80, s7;
	[sflag:s15] =	ssyncset.done $0x0  }
.LBB2_2:
0x1f: {  	p1 =	seq.s32 s17, $0x1  }
0x20: {  	[sflag:s15] =	ssyncadd.s32 $0xFFFF9C00;
	s17 =	smov.u32 s16;
	s16 =	sadd.s32 $0x1, s16  }
0x21: {  	p0 =	sne.s32 s16, $0x7C;
	s18 =	simm.s32 @p1 $0x2;
	s15 =	simm.s32 @!p1 $0x4  }
0x22: {  	_ =	swait.ge @p1 [sflag:s18], $0x6400  }
0x23: {  	[sflag:s18] =	ssyncset.done @p1 $0x0  }
0x24: {  	s19 =	simm.s32 @p1 $0x6200;
	[sflag:s18] =	ssyncadd.s32 @p1 $0xFFFF9C00;
	s18 =	simm.s32 @p1 $0xC8  }
0x25: {  	[tilespmem:s19], [sflag:$0x1] =	stream.indirect.gather @p1 [hbm4b:s3+s18], $0x80, s14, s18, $0xb8;
	[tilespmem:$0x12A00] =	vst v63  }
0x26: {  	s20 =	simm.s32 @!p1 $0x1;
	s18 =	simm.s32 @p1 $0x0;
	s19 =	simm.s32 @p1 $0xC600  }
0x27: {  	[hbm4b:s13+s18] =	stream.linear.scatter @p1 [tilespmem:s19], [sflag:$0x3], $0x6400, $0x38;
	[tilespmem:$0x12A00] =	vst v63  }
0x28: {  	_ =	swait.ge @!p1 [sflag:s20], $0x6400  }
0x29: {  	[sflag:s20] =	ssyncset.done @!p1 $0x0  }
0x2a: {  	s18 =	simm.s32 @!p1 $0xC8;
	s19 =	simm.s32 @!p1 $0xC600;
	[sflag:s20] =	ssyncadd.s32 @!p1 $0xFFFF9C00  }
0x2b: {  	[tilespmem:s19], [sflag:$0x2] =	stream.indirect.gather @!p1 [hbm4b:s3+s18], $0x80, s14, s18, $0xb8;
	[tilespmem:$0x12A00] =	vst v63  }
.Ltmp0:
0x2c: {  	_ = 	snop;
	(pc) =	sbr.rel @p0 .LBB2_2-.Ltmp0, $4  }
0x2d: {  	s15 =	simm.s32 @p1 $0x3;
	s18 =	simm.s32 @!p1 $0x0;
	s19 =	simm.s32 @!p1 $0x6200  }
0x2e: {  	[hbm4b:s13+s18] =	stream.linear.scatter @!p1 [tilespmem:s19], [sflag:$0x4], $0x6400, $0x38;
	[tilespmem:$0x12A00] =	vst v63  }
0x2f: {  	s13 =	sadd.s32 $0xC80, s13;
	_ =	swait.ge [sflag:s15], $0x6400  }
0x30: {  	s17 =	sand.u32 $0x1, s17;
	s14 =	sadd.s32 $0xC8, s14;
	[sflag:s15] =	ssyncset.done $0x0  }
0x31: {  	p0 =	seq.s32 s17, $0x1  }
0x32: {  	[sflag:s15] =	ssyncadd.s32 $0xFFFF9C00;
	s15 =	simm.s32 @p0 $0x2  }
0x33: {  	_ =	swait.ge @p0 [sflag:s15], $0x6400  }
0x34: {  	[sflag:s15] =	ssyncset.done @p0 $0x0  }
0x35: {  	s16 =	simm.s32 @p0 $0x6200;
	[sflag:s15] =	ssyncadd.s32 @p0 $0xFFFF9C00;
	s15 =	simm.s32 @p0 $0xC8  }
0x36: {  	[tilespmem:s16], [sflag:$0x1] =	stream.indirect.gather @p0 [hbm4b:s3+s15], $0x80, s14, s15, $0xb8;
	[tilespmem:$0x12A00] =	vst v63  }
0x37: {  	s17 =	simm.s32 @!p0 $0x1;
	s15 =	simm.s32 @p0 $0x0;
	s16 =	simm.s32 @p0 $0xC600  }
0x38: {  	[hbm4b:s13+s15] =	stream.linear.scatter @p0 [tilespmem:s16], [sflag:$0x3], $0x6400, $0x38;
	[tilespmem:$0x12A00] =	vst v63  }
0x39: {  	_ =	swait.ge @!p0 [sflag:s17], $0x6400  }
0x3a: {  	s15 =	simm.s32 @!p0 $0x4;
	[sflag:s17] =	ssyncset.done @!p0 $0x0  }
0x3b: {  	s16 =	simm.s32 @!p0 $0xC8;
	[sflag:s17] =	ssyncadd.s32 @!p0 $0xFFFF9C00;
	s17 =	simm.s32 @!p0 $0xC600  }
0x3c: {  	[tilespmem:s17], [sflag:$0x2] =	stream.indirect.gather @!p0 [hbm4b:s3+s16], $0x80, s14, s16, $0xb8;
	[tilespmem:$0x12A00] =	vst v63  }
0x3d: {  	s15 =	simm.s32 @p0 $0x3;
	s14 =	simm.s32 @!p0 $0x0;
	s16 =	simm.s32 @!p0 $0x6200  }
0x3e: {  	[hbm4b:s13+s14] =	stream.linear.scatter @!p0 [tilespmem:s16], [sflag:$0x4], $0x6400, $0x38;
	[tilespmem:$0x12A00] =	vst v63  }
0x3f: {  	_ =	swait.ge [sflag:s15], $0x6400  }
0x40: {  	[sflag:s15] =	ssyncset.done $0x0  }
0x41: {  	[sflag:s15] =	ssyncadd.s32 $0xFFFF9C00  }
0x42: {  	s12 =	sadd.s32 $0x1, s12;
	_ =	swait.ge [sflag:s10], $0x6400  }
0x43: {  	p0 =	sne.s32 s12, s5;
	[sflag:s10] =	ssyncset.done $0x0  }
.Ltmp1:
0x44: {  	[sflag:s10] =	ssyncadd.s32 $0xFFFF9C00;
	(pc) =	sbr.rel @p0 .LBB2_1-.Ltmp1, $4  }
0x45: {  	[hbm4b:s6+s2] =	stream.linear.scatter [tilespmem:s9], [sflag:$0x4], $0x6400, $0x38;
	[tilespmem:$0x12A00] =	vst v63  }
0x46: {  	_ =	swait.ge [sflag:s11], $0x6400  }
0x47: {  	[sflag:s11] =	ssyncset.done $0x0  }
0x48: {  	[sflag:s11] =	ssyncadd.s32 $0xFFFF9C00  }
0x49: {  	_ =	sfence.sel $0x180000  }
0x4a: {  	[bflag:$0x0] =	sbarrier.arrive $0xFFFF  }
0x4b: {  	p0 =	sne.s32 s0, $0x0;
	_ =	strace $0x9000004D  }
0x4c: {  	s0 =	sadd.s32 @!p0 $0x100000, s1;
	[bflag:$0x2] =	sbarrier.arrive $0xFFFF  }
0x4d: {  	[sflag:s0] =	ssyncadd.tile.s32 @!p0 $0x1;
	_ =	shalt  }
.Lfunc_end2:
_tile_overlayer_lowered:
.L_overlay_start_2:
0x4e: {  	(tag) =	ssettag $0x2  }
0x4f: {  	s0 =	rddreg [dreg:$0x0];
	s2 =	stileid.u32  }
0x50: {  	s1 =	rddreg [dreg:$0x1];
	p0 =	sne.s32 s2, $0x0  }
0x51: {  	s3 =	rddreg [dreg:$0x2];
	[bflag:$0x3] =	sbarrier.arrive $0xFFFF;
	s2 =	simm.s32 @!p0 $0x1C03  }
0x52: {  	[timem:s3], [sflag:s2] =	dma.local @!p0 [hbm:s0], s1  }
0x53: {  	s0 =	simm.s32 @!p0 $0x3  }
0x54: {  	_ =	swait.ge @!p0 [sflag:s0], s1  }
0x55: {  	s1 =	ssub.s32 @!p0 $0x0, s1;
	[sflag:s0] =	ssyncset.done @!p0 $0x0  }
0x56: {  	[sflag:s0] =	ssyncadd.s32 @!p0 s1  }
0x57: {  	[bflag:$0x3] =	sbarrier.arrive $0xFFFF  }
0x58: {  	_ =	shalt  }

</sc_bundles>
